<compile_context>
chip_gen: v7x
topology: tpu7x:2x2x1
jax: 0.10.2.dev20260603
libtpu: 0.0.44.dev20260713+nightly
codegen_flags: <defaults>
</compile_context>

<pallas_src>
import functools

import jax
import jax.numpy as jnp
import numpy as np
from jax import lax
from jax.experimental import pallas as pl
from jax.experimental.pallas import tpu as pltpu
from jax.experimental.pallas import tpu_sc as plsc

N = 1024
L = 32768
B = 32
K = 8
THR = 10.0

N1 = 128
N2 = 256
KH = 136


def _sc_knn_kernel(qs_h, px_h, py_h, pz_h, outk_h, outi_h,
                   px_v, py_v, pz_v, q3_v, rowk_v, rowi_v):
    wid = lax.axis_index("s") * 2 + lax.axis_index("c")
    pltpu.sync_copy(px_h, px_v)
    pltpu.sync_copy(py_h, py_v)
    pltpu.sync_copy(pz_h, pz_v)

    lane = lax.iota(jnp.int32, 16)

    def one_query(q):
        pltpu.sync_copy(qs_h.at[q], q3_v)
        qxv = q3_v[pl.ds(0, 16)]
        qyv = q3_v[pl.ds(16, 16)]
        qzv = q3_v[pl.ds(32, 16)]

        def body(c, carry):
            keys = list(carry[:K])
            idxs = list(carry[K:])
            base = c * 16
            dx = px_v[pl.ds(base, 16)] - qxv
            dy = py_v[pl.ds(base, 16)] - qyv
            dz = pz_v[pl.ds(base, 16)] - qzv
            v = dx * dx + dy * dy + dz * dz
            vi = lane + base
            for r in range(K):
                lt = v < keys[r]
                nk = jnp.where(lt, v, keys[r])
                ni = jnp.where(lt, vi, idxs[r])
                v = jnp.where(lt, keys[r], v)
                vi = jnp.where(lt, idxs[r], vi)
                keys[r] = nk
                idxs[r] = ni
            return tuple(keys) + tuple(idxs)

        init = (tuple(jnp.full((16,), jnp.inf, jnp.float32)
                      for _ in range(K)) +
                tuple(jnp.full((16,), np.int32(2**30)) for _ in range(K)))
        carry = lax.fori_loop(0, N // 16, body, init)
        for r in range(K):
            rowk_v[pl.ds(r * 16, 16)] = carry[r]
            rowi_v[pl.ds(r * 16, 16)] = carry[K + r]
        pltpu.sync_copy(rowk_v, outk_h.at[q])
        pltpu.sync_copy(rowi_v, outi_h.at[q])

    one_query(wid * 2)
    one_query(wid * 2 + 1)


def _merge_kernel(d2_ref, idx_ref, out_ref):
    s = jnp.sqrt(d2_ref[...])
    cidx = idx_ref[...]
    big = np.int32(2**30)
    for k in range(K):
        m = jnp.min(s, axis=1, keepdims=True)
        idxk = jnp.min(jnp.where(s == m, cidx, big), axis=1, keepdims=True)
        out_ref[:, k:k + 1] = idxk
        s = jnp.where(cidx == idxk, jnp.inf, s)


def _sc_topk_indices(input_posA, input_posB, positions):
    q = jnp.concatenate([input_posA, input_posB], axis=0)
    qs = jnp.concatenate([jnp.broadcast_to(q[:, c:c + 1], (2 * B, 16))
                          for c in range(3)], axis=1)
    mesh = plsc.VectorSubcoreMesh(core_axis_name="c", subcore_axis_name="s")
    fn = functools.partial(
        pl.kernel, mesh=mesh,
        out_type=[
            jax.ShapeDtypeStruct((2 * B, K * 16), jnp.float32),
            jax.ShapeDtypeStruct((2 * B, K * 16), jnp.int32),
        ],
        scratch_types=[
            pltpu.VMEM((N,), jnp.float32),
            pltpu.VMEM((N,), jnp.float32),
            pltpu.VMEM((N,), jnp.float32),
            pltpu.VMEM((48,), jnp.float32),
            pltpu.VMEM((K * 16,), jnp.float32),
            pltpu.VMEM((K * 16,), jnp.int32),
        ],
    )(_sc_knn_kernel)
    d2c, idxc = fn(qs, positions[:, 0], positions[:, 1], positions[:, 2])
    return pl.pallas_call(
        _merge_kernel,
        out_shape=jax.ShapeDtypeStruct((2 * B, K), jnp.int32),
    )(d2c, idxc)


def _split(x):
    hi = x.astype(jnp.bfloat16)
    lo = (x - hi.astype(jnp.float32)).astype(jnp.bfloat16)
    return hi, lo


def _main_kernel(idx_ref, *refs):
    audio_refs = refs[:2 * K]
    (f2rc_ref, f2ic_ref, wr_ref, wi_ref, f1rc_ref, f1ic_ref,
     rrev_ref, csel_ref, outr_ref, outi_ref) = refs[2 * K:]

    x2 = jnp.concatenate([r[0] for r in audio_refs], axis=1)

    dot = functools.partial(
        jax.lax.dot_general,
        preferred_element_type=jnp.float32)
    dnum = (((1,), (0,)), ((), ()))


    xh, xl = _split(x2)
    xcat = jnp.concatenate([xh, xl, xh], axis=0)
    gr = dot(f2rc_ref[...], xcat, dnum)
    gi = dot(f2ic_ref[...], xcat, dnum)

    zr = gr * wr_ref[...] - gi * wi_ref[...]
    zi = gr * wi_ref[...] + gi * wr_ref[...]

    zr = zr.reshape(KH * 2 * K, N1)
    zi = zi.reshape(KH * 2 * K, N1)
    zrh, zrl = _split(zr)
    zih, zil = _split(zi)
    zrcat = jnp.concatenate([zrh, zrh, zrl], axis=1)
    zicat = jnp.concatenate([zih, zih, zil], axis=1)
    xr = dot(zrcat, f1rc_ref[...], dnum) - dot(zicat, f1ic_ref[...], dnum)
    xi = dot(zrcat, f1ic_ref[...], dnum) + dot(zicat, f1rc_ref[...], dnum)
    xr = xr.reshape(KH, 2 * K, N1)
    xi = xi.reshape(KH, 2 * K, N1)

    ar = xr[:, :K, :]
    ai = xi[:, :K, :]
    br = xr[:, K:, :]
    bi = xi[:, K:, :]

    recip = 1.0 / (ar * ar + ai * ai)
    acc_r = jnp.zeros((KH, K, N1), dtype=jnp.float32)
    acc_i = jnp.zeros((KH, K, N1), dtype=jnp.float32)
    for s in range(K):
        if s == 0:
            brs, bis = br, bi
        else:
            brs = jnp.concatenate([br[:, s:, :], br[:, :s, :]], axis=1)
            bis = jnp.concatenate([bi[:, s:, :], bi[:, :s, :]], axis=1)
        num_r = brs * ar + bis * ai
        num_i = bis * ar - brs * ai
        rr = num_r * recip
        ri = num_i * recip
        rr = jnp.where(jnp.isnan(rr), 0.0, rr)
        ri = jnp.where(jnp.isnan(ri), 0.0, ri)
        acc_r = acc_r + jnp.clip(rr, -THR, THR)
        acc_i = acc_i + jnp.clip(ri, -THR, THR)

    res_r = (jnp.sum(acc_r, axis=1) * (1.0 / (K * K))).T
    res_i = (jnp.sum(acc_i, axis=1) * (1.0 / (K * K))).T
    doth = functools.partial(jax.lax.dot_general,
                             precision=jax.lax.Precision.HIGHEST,
                             preferred_element_type=jnp.float32)
    mir_r = doth(doth(rrev_ref[...], res_r, dnum), csel_ref[...], dnum)
    mir_i = doth(doth(rrev_ref[...], res_i, dnum), csel_ref[...], dnum)
    outr_ref[0] = jnp.concatenate([res_r[:, :129], mir_r], axis=1)
    outi_ref[0] = jnp.concatenate([res_i[:, :129], -mir_i], axis=1)


def _dft_tables():
    k2 = np.arange(KH)
    n2 = np.arange(N2)
    ang = (-2.0 * np.pi / N2) * (np.outer(k2, n2) % N2)
    f2r = np.cos(ang).astype(np.float32)
    f2i = np.sin(ang).astype(np.float32)
    n1 = np.arange(N1)
    angw = (-2.0 * np.pi / L) * (np.outer(k2, n1) % L)
    wr = np.tile(np.cos(angw).astype(np.float32), (1, 2 * K))
    wi = np.tile(np.sin(angw).astype(np.float32), (1, 2 * K))
    ang1 = (-2.0 * np.pi / N1) * (np.outer(n1, n1) % N1)
    f1r = np.cos(ang1).astype(np.float32)
    f1i = np.sin(ang1).astype(np.float32)

    def split(a):
        hi = a.astype(jnp.bfloat16)
        lo = (a - np.asarray(hi, np.float32)).astype(jnp.bfloat16)
        return np.asarray(hi), np.asarray(lo)

    rrev = np.eye(N1, dtype=np.float32)[::-1]
    csel = np.zeros((KH, 127), dtype=np.float32)
    for j in range(127):
        csel[127 - j, j] = 1.0

    f2rh, f2rl = split(f2r)
    f2ih, f2il = split(f2i)
    f2rc = np.concatenate([f2rh, f2rh, f2rl], axis=1)
    f2ic = np.concatenate([f2ih, f2ih, f2il], axis=1)
    f1rh, f1rl = split(f1r)
    f1ih, f1il = split(f1i)
    f1rc = np.concatenate([f1rh, f1rl, f1rh], axis=0)
    f1ic = np.concatenate([f1ih, f1il, f1ih], axis=0)

    return (jnp.asarray(f2rc), jnp.asarray(f2ic), jnp.asarray(wr),
            jnp.asarray(wi), jnp.asarray(f1rc), jnp.asarray(f1ic),
            jnp.asarray(rrev), jnp.asarray(csel))


def kernel(input_posA, input_posB, positions, audios):
    idx = _sc_topk_indices(input_posA, input_posB, positions)
    idx_flat = idx.reshape(-1)

    audios3 = audios.reshape(N, N2, N1)
    f2rc, f2ic, wr, wi, f1rc, f1ic, rrev, csel = _dft_tables()

    def audio_spec(t):
        if t < K:
            def imap(b, iref, t=t):
                return (iref[b * K + t], 0, 0)
        else:
            def imap(b, iref, t=t):
                return (iref[B * K + b * K + (t - K)], 0, 0)
        return pl.BlockSpec((1, N2, N1), imap)

    in_specs = [audio_spec(t) for t in range(2 * K)]
    in_specs += [pl.BlockSpec((KH, 3 * N2), lambda b, iref: (0, 0))] * 2
    in_specs += [pl.BlockSpec((KH, 2 * K * N1), lambda b, iref: (0, 0))] * 2
    in_specs += [pl.BlockSpec((3 * N1, N1), lambda b, iref: (0, 0))] * 2
    in_specs += [
        pl.BlockSpec((N1, N1), lambda b, iref: (0, 0)),
        pl.BlockSpec((KH, 127), lambda b, iref: (0, 0)),
    ]
    out_specs = [
        pl.BlockSpec((1, N1, N2), lambda b, iref: (b, 0, 0)),
        pl.BlockSpec((1, N1, N2), lambda b, iref: (b, 0, 0)),
    ]

    outr, outi = pl.pallas_call(
        _main_kernel,
        grid_spec=pltpu.PrefetchScalarGridSpec(
            num_scalar_prefetch=1,
            grid=(B,),
            in_specs=in_specs,
            out_specs=out_specs,
        ),
        out_shape=[
            jax.ShapeDtypeStruct((B, N1, N2), jnp.float32),
            jax.ShapeDtypeStruct((B, N1, N2), jnp.float32),
        ],
    )(idx_flat, *([audios3] * (2 * K)), f2rc, f2ic,
      wr, wi, f1rc, f1ic, rrev, csel)

    return (outr + 1j * outi).reshape(B, L)

# --- scband reference (transcript-rebuilt; emitter-appended) ---
"""Pipeline reference for scband-interpolate-model-35046933135850 (READ-ONLY COPY).

The authoritative reference and input builder live on the scoring server;
editing this copy changes nothing except your own understanding.
"""

import jax, jax.numpy as jnp
import numpy as np

N = 1024      # number of database entries (dataset size)
L = 32768     # audio length
B = 32        # query batch
K = 8         # k nearest neighbors
THR = 10.0    # threshould


def setup_inputs(seed: int = 0) -> dict:
    key = jax.random.key(seed)
    k1, k2, k3, k4 = jax.random.split(key, 4)
    return {
        "input_posA": jax.random.normal(k1, (B, 3), dtype=jnp.float32),
        "input_posB": jax.random.normal(k2, (B, 3), dtype=jnp.float32),
        # learned parameters materialized from the dataset in the original __init__
        "positions": jax.random.normal(k3, (N, 3), dtype=jnp.float32),
        "audios": jax.random.normal(k4, (N, L), dtype=jnp.float32),
    }


def _get_k_nearest_audio(pos, positions, audios):
    # pos: [B, 3]; positions: [N, 3]; audios: [N, L]
    diff = positions[None, :, :] - pos[:, None, :]          # [B, N, 3]
    distances = jnp.linalg.norm(diff, axis=-1)              # [B, N]
    _, indices = jax.lax.top_k(-distances, K)               # smallest-k -> [B, K]
    k_nearest_values = jnp.take(audios, indices, axis=0)    # [B, K, L]
    return k_nearest_values


def reference(input_posA, input_posB, positions, audios):
    posA_audios = _get_k_nearest_audio(input_posA, positions, audios)  # [B, K, L]
    posB_audios = _get_k_nearest_audio(input_posB, positions, audios)  # [B, K, L]
    posA_fft = jnp.fft.fft(posA_audios, norm='backward')[:, :, None, :]  # [B, K, 1, L]
    posB_fft = jnp.fft.fft(posB_audios, norm='backward')[:, None, :, :]  # [B, 1, K, L]
    warp = posB_fft / posA_fft                                            # [B, K, K, L] complex
    re = jnp.nan_to_num(warp.real, nan=0.0)
    im = jnp.nan_to_num(warp.imag, nan=0.0)
    re = jnp.clip(re, -THR, THR)
    im = jnp.clip(im, -THR, THR)
    warp = re + 1j * im
    warp = warp.mean(axis=(1, 2))                                         # [B, L] complex
    return warp

if __name__ == "__main__":
    import jax
    _d = setup_inputs()
    print(jax.jit(kernel)(*tuple(_d.values())))

</pallas_src>

<mosaic_0001>
#map = affine_map<(d0, d1) -> (0, 0)>
#map1 = affine_map<(d0, d1) -> (0)>
module attributes {stable_mosaic.version = 14 : i64} {
  func.func @_sc_knn_kernel(%arg0: i32, %arg1: i32, %arg2: memref<64x48xf32, #tpu.memory_space<hbm>>, %arg3: memref<1024xf32, #tpu.memory_space<hbm>>, %arg4: memref<1024xf32, #tpu.memory_space<hbm>>, %arg5: memref<1024xf32, #tpu.memory_space<hbm>>, %arg6: memref<64x128xf32, #tpu.memory_space<hbm>>, %arg7: memref<64x128xi32, #tpu.memory_space<hbm>>, %arg8: memref<1024xf32, #tpu.memory_space<vmem>>, %arg9: memref<1024xf32, #tpu.memory_space<vmem>>, %arg10: memref<1024xf32, #tpu.memory_space<vmem>>, %arg11: memref<48xf32, #tpu.memory_space<vmem>>, %arg12: memref<128xf32, #tpu.memory_space<vmem>>, %arg13: memref<128xi32, #tpu.memory_space<vmem>>) attributes {dimension_semantics = [#tpu.dimension_semantics<core_parallel>, #tpu.dimension_semantics<subcore_parallel>], iteration_bounds = array<i64: 2, 16>, scalar_prefetch = 0 : i64, scratch_operands = 6 : i64, tpu.core_type = #tpu.core_type<sc_vector_subcore>, window_params = [{transform_indices = #map}, {transform_indices = #map1}, {transform_indices = #map1}, {transform_indices = #map1}, {transform_indices = #map}, {transform_indices = #map}]} {
    %mul3A = arith.constant 2 : i32
    %mul3A_0 = arith.muli %arg1, %mul3A : i32
    %add3A = arith.addi %mul3A_0, %arg0 : i32
    "tpu.region"() ({
      %run_scoped3A = tpu.sem_alloc : memref<!tpu.dma_semaphore, #tpu.memory_space<semaphore_mem>>
      tpu.enqueue_dma source(%arg3 : memref<1024xf32, #tpu.memory_space<hbm>>) target(%arg8 : memref<1024xf32, #tpu.memory_space<vmem>>) target_semaphore(%run_scoped3A : memref<!tpu.dma_semaphore, #tpu.memory_space<semaphore_mem>>)
      tpu.wait_dma2 semaphore(%run_scoped3A : memref<!tpu.dma_semaphore, #tpu.memory_space<semaphore_mem>>) src(%arg3 : memref<1024xf32, #tpu.memory_space<hbm>>) dst(%arg8 : memref<1024xf32, #tpu.memory_space<vmem>>)
      tpu.yield
    }) : () -> ()
    "tpu.region"() ({
      %run_scoped3A = tpu.sem_alloc : memref<!tpu.dma_semaphore, #tpu.memory_space<semaphore_mem>>
      tpu.enqueue_dma source(%arg4 : memref<1024xf32, #tpu.memory_space<hbm>>) target(%arg9 : memref<1024xf32, #tpu.memory_space<vmem>>) target_semaphore(%run_scoped3A : memref<!tpu.dma_semaphore, #tpu.memory_space<semaphore_mem>>)
      tpu.wait_dma2 semaphore(%run_scoped3A : memref<!tpu.dma_semaphore, #tpu.memory_space<semaphore_mem>>) src(%arg4 : memref<1024xf32, #tpu.memory_space<hbm>>) dst(%arg9 : memref<1024xf32, #tpu.memory_space<vmem>>)
      tpu.yield
    }) : () -> ()
    "tpu.region"() ({
      %run_scoped3A = tpu.sem_alloc : memref<!tpu.dma_semaphore, #tpu.memory_space<semaphore_mem>>
      tpu.enqueue_dma source(%arg5 : memref<1024xf32, #tpu.memory_space<hbm>>) target(%arg10 : memref<1024xf32, #tpu.memory_space<vmem>>) target_semaphore(%run_scoped3A : memref<!tpu.dma_semaphore, #tpu.memory_space<semaphore_mem>>)
      tpu.wait_dma2 semaphore(%run_scoped3A : memref<!tpu.dma_semaphore, #tpu.memory_space<semaphore_mem>>) src(%arg5 : memref<1024xf32, #tpu.memory_space<hbm>>) dst(%arg10 : memref<1024xf32, #tpu.memory_space<vmem>>)
      tpu.yield
    }) : () -> ()
    %iota3A = tpu.iota {dimensions = array<i32: 0>} : vector<16xi32>
    %mul3A_1 = arith.constant 2 : i32
    %mul3A_2 = arith.muli %add3A, %mul3A_1 : i32
    "tpu.region"() ({
      %run_scoped3A = tpu.sem_alloc : memref<!tpu.dma_semaphore, #tpu.memory_space<semaphore_mem>>
      %dma_start3A = arith.constant 0 : i32
      %dma_start3A_225 = tpu.memref_slice %arg2[%mul3A_2, %dma_start3A] : memref<64x48xf32, #tpu.memory_space<hbm>> -> memref<1x48xf32, #tpu.memory_space<hbm>>
      %dma_start3A_226 = tpu.memref_squeeze %dma_start3A_225 : memref<1x48xf32, #tpu.memory_space<hbm>> -> memref<48xf32, #tpu.memory_space<hbm>>
      %dma_start3A_227 = arith.constant 0 : i32
      %dma_start3A_228 = tpu.memref_slice %arg2[%mul3A_2, %dma_start3A_227] : memref<64x48xf32, #tpu.memory_space<hbm>> -> memref<1x48xf32, #tpu.memory_space<hbm>>
      %dma_start3A_229 = tpu.memref_squeeze %dma_start3A_228 : memref<1x48xf32, #tpu.memory_space<hbm>> -> memref<48xf32, #tpu.memory_space<hbm>>
      tpu.enqueue_dma source(%dma_start3A_229 : memref<48xf32, #tpu.memory_space<hbm>>) target(%arg11 : memref<48xf32, #tpu.memory_space<vmem>>) target_semaphore(%run_scoped3A : memref<!tpu.dma_semaphore, #tpu.memory_space<semaphore_mem>>)
      %dma_wait3A = arith.constant 0 : i32
      %dma_wait3A_230 = tpu.memref_slice %arg2[%mul3A_2, %dma_wait3A] : memref<64x48xf32, #tpu.memory_space<hbm>> -> memref<1x48xf32, #tpu.memory_space<hbm>>
      %dma_wait3A_231 = tpu.memref_squeeze %dma_wait3A_230 : memref<1x48xf32, #tpu.memory_space<hbm>> -> memref<48xf32, #tpu.memory_space<hbm>>
      %dma_wait3A_232 = arith.constant 0 : i32
      %dma_wait3A_233 = tpu.memref_slice %arg2[%mul3A_2, %dma_wait3A_232] : memref<64x48xf32, #tpu.memory_space<hbm>> -> memref<1x48xf32, #tpu.memory_space<hbm>>
      %dma_wait3A_234 = tpu.memref_squeeze %dma_wait3A_233 : memref<1x48xf32, #tpu.memory_space<hbm>> -> memref<48xf32, #tpu.memory_space<hbm>>
      tpu.wait_dma2 semaphore(%run_scoped3A : memref<!tpu.dma_semaphore, #tpu.memory_space<semaphore_mem>>) src(%dma_wait3A_234 : memref<48xf32, #tpu.memory_space<hbm>>) dst(%arg11 : memref<48xf32, #tpu.memory_space<vmem>>)
      tpu.yield
    }) : () -> ()
    %get3A = arith.constant 0 : index
    %get3A_3 = tpu.vector_load %arg11[%get3A] {strides = array<i32>} : memref<48xf32, #tpu.memory_space<vmem>>, vector<16xf32>,
    %get3A_4 = vector.shape_cast %get3A_3 : vector<16xf32> to vector<16xf32>
    %get3A_5 = arith.constant 16 : index
    %get3A_6 = tpu.vector_load %arg11[%get3A_5] {strides = array<i32>} : memref<48xf32, #tpu.memory_space<vmem>>, vector<16xf32>,
    %get3A_7 = vector.shape_cast %get3A_6 : vector<16xf32> to vector<16xf32>
    %get3A_8 = arith.constant 32 : index
    %get3A_9 = tpu.vector_load %arg11[%get3A_8] {strides = array<i32>} : memref<48xf32, #tpu.memory_space<vmem>>, vector<16xf32>,
    %get3A_10 = vector.shape_cast %get3A_9 : vector<16xf32> to vector<16xf32>
    %broadcast_in_dim3A = arith.constant 0x7F800000 : f32
    %broadcast_in_dim3A_11 = vector.broadcast %broadcast_in_dim3A : f32 to vector<16xf32>
    %broadcast_in_dim3A_12 = arith.constant 0x7F800000 : f32
    %broadcast_in_dim3A_13 = vector.broadcast %broadcast_in_dim3A_12 : f32 to vector<16xf32>
    %broadcast_in_dim3A_14 = arith.constant 0x7F800000 : f32
    %broadcast_in_dim3A_15 = vector.broadcast %broadcast_in_dim3A_14 : f32 to vector<16xf32>
    %broadcast_in_dim3A_16 = arith.constant 0x7F800000 : f32
    %broadcast_in_dim3A_17 = vector.broadcast %broadcast_in_dim3A_16 : f32 to vector<16xf32>
    %broadcast_in_dim3A_18 = arith.constant 0x7F800000 : f32
    %broadcast_in_dim3A_19 = vector.broadcast %broadcast_in_dim3A_18 : f32 to vector<16xf32>
    %broadcast_in_dim3A_20 = arith.constant 0x7F800000 : f32
    %broadcast_in_dim3A_21 = vector.broadcast %broadcast_in_dim3A_20 : f32 to vector<16xf32>
    %broadcast_in_dim3A_22 = arith.constant 0x7F800000 : f32
    %broadcast_in_dim3A_23 = vector.broadcast %broadcast_in_dim3A_22 : f32 to vector<16xf32>
    %broadcast_in_dim3A_24 = arith.constant 0x7F800000 : f32
    %broadcast_in_dim3A_25 = vector.broadcast %broadcast_in_dim3A_24 : f32 to vector<16xf32>
    %broadcast_in_dim3A_26 = arith.constant 1073741824 : i32
    %broadcast_in_dim3A_27 = vector.broadcast %broadcast_in_dim3A_26 : i32 to vector<16xi32>
    %broadcast_in_dim3A_28 = arith.constant 1073741824 : i32
    %broadcast_in_dim3A_29 = vector.broadcast %broadcast_in_dim3A_28 : i32 to vector<16xi32>
    %broadcast_in_dim3A_30 = arith.constant 1073741824 : i32
    %broadcast_in_dim3A_31 = vector.broadcast %broadcast_in_dim3A_30 : i32 to vector<16xi32>
    %broadcast_in_dim3A_32 = arith.constant 1073741824 : i32
    %broadcast_in_dim3A_33 = vector.broadcast %broadcast_in_dim3A_32 : i32 to vector<16xi32>
    %broadcast_in_dim3A_34 = arith.constant 1073741824 : i32
    %broadcast_in_dim3A_35 = vector.broadcast %broadcast_in_dim3A_34 : i32 to vector<16xi32>
    %broadcast_in_dim3A_36 = arith.constant 1073741824 : i32
    %broadcast_in_dim3A_37 = vector.broadcast %broadcast_in_dim3A_36 : i32 to vector<16xi32>
    %broadcast_in_dim3A_38 = arith.constant 1073741824 : i32
    %broadcast_in_dim3A_39 = vector.broadcast %broadcast_in_dim3A_38 : i32 to vector<16xi32>
    %broadcast_in_dim3A_40 = arith.constant 1073741824 : i32
    %broadcast_in_dim3A_41 = vector.broadcast %broadcast_in_dim3A_40 : i32 to vector<16xi32>
    %scan3A = arith.constant 0 : i32
    %scan3A_42 = arith.constant 64 : i32
    %scan3A_43 = arith.addi %scan3A, %scan3A_42 : i32
    %scan3A_44 = arith.constant 1 : i32
    %scan3A_45:16 = scf.for %scan3A_225 = %scan3A to %scan3A_43 step %scan3A_44 iter_args(%scan3A_226 = %broadcast_in_dim3A_11, %scan3A_227 = %broadcast_in_dim3A_13, %scan3A_228 = %broadcast_in_dim3A_15, %scan3A_229 = %broadcast_in_dim3A_17, %scan3A_230 = %broadcast_in_dim3A_19, %scan3A_231 = %broadcast_in_dim3A_21, %scan3A_232 = %broadcast_in_dim3A_23, %scan3A_233 = %broadcast_in_dim3A_25, %scan3A_234 = %broadcast_in_dim3A_27, %scan3A_235 = %broadcast_in_dim3A_29, %scan3A_236 = %broadcast_in_dim3A_31, %scan3A_237 = %broadcast_in_dim3A_33, %scan3A_238 = %broadcast_in_dim3A_35, %scan3A_239 = %broadcast_in_dim3A_37, %scan3A_240 = %broadcast_in_dim3A_39, %scan3A_241 = %broadcast_in_dim3A_41) -> (vector<16xf32>, vector<16xf32>, vector<16xf32>, vector<16xf32>, vector<16xf32>, vector<16xf32>, vector<16xf32>, vector<16xf32>, vector<16xi32>, vector<16xi32>, vector<16xi32>, vector<16xi32>, vector<16xi32>, vector<16xi32>, vector<16xi32>, vector<16xi32>)  : i32 {
      %mul3A_242 = arith.constant 16 : i32
      %mul3A_243 = arith.muli %scan3A_225, %mul3A_242 : i32
      %get3A_244 = arith.index_cast %mul3A_243 : i32 to index
      %get3A_245 = tpu.vector_load %arg8[%get3A_244] {strides = array<i32>} : memref<1024xf32, #tpu.memory_space<vmem>>, vector<16xf32>,
      %get3A_246 = vector.shape_cast %get3A_245 : vector<16xf32> to vector<16xf32>
      %sub3A = arith.subf %get3A_246, %get3A_4 : vector<16xf32>
      %get3A_247 = arith.index_cast %mul3A_243 : i32 to index
      %get3A_248 = tpu.vector_load %arg9[%get3A_247] {strides = array<i32>} : memref<1024xf32, #tpu.memory_space<vmem>>, vector<16xf32>,
      %get3A_249 = vector.shape_cast %get3A_248 : vector<16xf32> to vector<16xf32>
      %sub3A_250 = arith.subf %get3A_249, %get3A_7 : vector<16xf32>
      %get3A_251 = arith.index_cast %mul3A_243 : i32 to index
      %get3A_252 = tpu.vector_load %arg10[%get3A_251] {strides = array<i32>} : memref<1024xf32, #tpu.memory_space<vmem>>, vector<16xf32>,
      %get3A_253 = vector.shape_cast %get3A_252 : vector<16xf32> to vector<16xf32>
      %sub3A_254 = arith.subf %get3A_253, %get3A_10 : vector<16xf32>
      %mul3A_255 = arith.mulf %sub3A, %sub3A : vector<16xf32>
      %mul3A_256 = arith.mulf %sub3A_250, %sub3A_250 : vector<16xf32>
      %add3A_257 = arith.addf %mul3A_255, %mul3A_256 : vector<16xf32>
      %mul3A_258 = arith.mulf %sub3A_254, %sub3A_254 : vector<16xf32>
      %add3A_259 = arith.addf %add3A_257, %mul3A_258 : vector<16xf32>
      %add3A_260 = vector.broadcast %mul3A_243 : i32 to vector<16xi32>
      %add3A_261 = arith.addi %iota3A, %add3A_260 : vector<16xi32>
      %lt3A = arith.cmpf olt, %add3A_259, %scan3A_226 : vector<16xf32>
      %select_n3A = arith.select %lt3A, %add3A_259, %scan3A_226 : vector<16xi1>, vector<16xf32>
      %select_n3A_262 = arith.select %lt3A, %add3A_261, %scan3A_234 : vector<16xi1>, vector<16xi32>
      %select_n3A_263 = arith.select %lt3A, %scan3A_226, %add3A_259 : vector<16xi1>, vector<16xf32>
      %select_n3A_264 = arith.select %lt3A, %scan3A_234, %add3A_261 : vector<16xi1>, vector<16xi32>
      %lt3A_265 = arith.cmpf olt, %select_n3A_263, %scan3A_227 : vector<16xf32>
      %select_n3A_266 = arith.select %lt3A_265, %select_n3A_263, %scan3A_227 : vector<16xi1>, vector<16xf32>
      %select_n3A_267 = arith.select %lt3A_265, %select_n3A_264, %scan3A_235 : vector<16xi1>, vector<16xi32>
      %select_n3A_268 = arith.select %lt3A_265, %scan3A_227, %select_n3A_263 : vector<16xi1>, vector<16xf32>
      %select_n3A_269 = arith.select %lt3A_265, %scan3A_235, %select_n3A_264 : vector<16xi1>, vector<16xi32>
      %lt3A_270 = arith.cmpf olt, %select_n3A_268, %scan3A_228 : vector<16xf32>
      %select_n3A_271 = arith.select %lt3A_270, %select_n3A_268, %scan3A_228 : vector<16xi1>, vector<16xf32>
      %select_n3A_272 = arith.select %lt3A_270, %select_n3A_269, %scan3A_236 : vector<16xi1>, vector<16xi32>
      %select_n3A_273 = arith.select %lt3A_270, %scan3A_228, %select_n3A_268 : vector<16xi1>, vector<16xf32>
      %select_n3A_274 = arith.select %lt3A_270, %scan3A_236, %select_n3A_269 : vector<16xi1>, vector<16xi32>
      %lt3A_275 = arith.cmpf olt, %select_n3A_273, %scan3A_229 : vector<16xf32>
      %select_n3A_276 = arith.select %lt3A_275, %select_n3A_273, %scan3A_229 : vector<16xi1>, vector<16xf32>
      %select_n3A_277 = arith.select %lt3A_275, %select_n3A_274, %scan3A_237 : vector<16xi1>, vector<16xi32>
      %select_n3A_278 = arith.select %lt3A_275, %scan3A_229, %select_n3A_273 : vector<16xi1>, vector<16xf32>
      %select_n3A_279 = arith.select %lt3A_275, %scan3A_237, %select_n3A_274 : vector<16xi1>, vector<16xi32>
      %lt3A_280 = arith.cmpf olt, %select_n3A_278, %scan3A_230 : vector<16xf32>
      %select_n3A_281 = arith.select %lt3A_280, %select_n3A_278, %scan3A_230 : vector<16xi1>, vector<16xf32>
      %select_n3A_282 = arith.select %lt3A_280, %select_n3A_279, %scan3A_238 : vector<16xi1>, vector<16xi32>
      %select_n3A_283 = arith.select %lt3A_280, %scan3A_230, %select_n3A_278 : vector<16xi1>, vector<16xf32>
      %select_n3A_284 = arith.select %lt3A_280, %scan3A_238, %select_n3A_279 : vector<16xi1>, vector<16xi32>
      %lt3A_285 = arith.cmpf olt, %select_n3A_283, %scan3A_231 : vector<16xf32>
      %select_n3A_286 = arith.select %lt3A_285, %select_n3A_283, %scan3A_231 : vector<16xi1>, vector<16xf32>
      %select_n3A_287 = arith.select %lt3A_285, %select_n3A_284, %scan3A_239 : vector<16xi1>, vector<16xi32>
      %select_n3A_288 = arith.select %lt3A_285, %scan3A_231, %select_n3A_283 : vector<16xi1>, vector<16xf32>
      %select_n3A_289 = arith.select %lt3A_285, %scan3A_239, %select_n3A_284 : vector<16xi1>, vector<16xi32>
      %lt3A_290 = arith.cmpf olt, %select_n3A_288, %scan3A_232 : vector<16xf32>
      %select_n3A_291 = arith.select %lt3A_290, %select_n3A_288, %scan3A_232 : vector<16xi1>, vector<16xf32>
      %select_n3A_292 = arith.select %lt3A_290, %select_n3A_289, %scan3A_240 : vector<16xi1>, vector<16xi32>
      %select_n3A_293 = arith.select %lt3A_290, %scan3A_232, %select_n3A_288 : vector<16xi1>, vector<16xf32>
      %select_n3A_294 = arith.select %lt3A_290, %scan3A_240, %select_n3A_289 : vector<16xi1>, vector<16xi32>
      %lt3A_295 = arith.cmpf olt, %select_n3A_293, %scan3A_233 : vector<16xf32>
      %select_n3A_296 = arith.select %lt3A_295, %select_n3A_293, %scan3A_233 : vector<16xi1>, vector<16xf32>
      %select_n3A_297 = arith.select %lt3A_295, %select_n3A_294, %scan3A_241 : vector<16xi1>, vector<16xi32>
      %select_n3A_298 = arith.select %lt3A_295, %scan3A_233, %select_n3A_293 : vector<16xi1>, vector<16xf32>
      %select_n3A_299 = arith.select %lt3A_295, %scan3A_241, %select_n3A_294 : vector<16xi1>, vector<16xi32>
      scf.yield %select_n3A, %select_n3A_266, %select_n3A_271, %select_n3A_276, %select_n3A_281, %select_n3A_286, %select_n3A_291, %select_n3A_296, %select_n3A_262, %select_n3A_267, %select_n3A_272, %select_n3A_277, %select_n3A_282, %select_n3A_287, %select_n3A_292, %select_n3A_297 : vector<16xf32>, vector<16xf32>, vector<16xf32>, vector<16xf32>, vector<16xf32>, vector<16xf32>, vector<16xf32>, vector<16xf32>, vector<16xi32>, vector<16xi32>, vector<16xi32>, vector<16xi32>, vector<16xi32>, vector<16xi32>, vector<16xi32>, vector<16xi32>
    }
    %scan3A_46 = arith.constant 64 : i32
    %swap3A = arith.constant 0 : index
    %swap3A_47 = tpu.vector_load %arg12[%swap3A] {strides = array<i32>} : memref<128xf32, #tpu.memory_space<vmem>>, vector<16xf32>,
    %swap3A_48 = vector.shape_cast %swap3A_47 : vector<16xf32> to vector<16xf32>
    %swap3A_49 = vector.shape_cast %scan3A_45#0 : vector<16xf32> to vector<16xf32>
    tpu.vector_store %arg12[%swap3A], %swap3A_49 {strides = array<i32>} : memref<128xf32, #tpu.memory_space<vmem>>, vector<16xf32>,
    %swap3A_50 = arith.constant 0 : index
    %swap3A_51 = tpu.vector_load %arg13[%swap3A_50] {strides = array<i32>} : memref<128xi32, #tpu.memory_space<vmem>>, vector<16xi32>,
    %swap3A_52 = vector.shape_cast %swap3A_51 : vector<16xi32> to vector<16xi32>
    %swap3A_53 = vector.shape_cast %scan3A_45#8 : vector<16xi32> to vector<16xi32>
    tpu.vector_store %arg13[%swap3A_50], %swap3A_53 {strides = array<i32>} : memref<128xi32, #tpu.memory_space<vmem>>, vector<16xi32>,
    %swap3A_54 = arith.constant 16 : index
    %swap3A_55 = tpu.vector_load %arg12[%swap3A_54] {strides = array<i32>} : memref<128xf32, #tpu.memory_space<vmem>>, vector<16xf32>,
    %swap3A_56 = vector.shape_cast %swap3A_55 : vector<16xf32> to vector<16xf32>
    %swap3A_57 = vector.shape_cast %scan3A_45#1 : vector<16xf32> to vector<16xf32>
    tpu.vector_store %arg12[%swap3A_54], %swap3A_57 {strides = array<i32>} : memref<128xf32, #tpu.memory_space<vmem>>, vector<16xf32>,
    %swap3A_58 = arith.constant 16 : index
    %swap3A_59 = tpu.vector_load %arg13[%swap3A_58] {strides = array<i32>} : memref<128xi32, #tpu.memory_space<vmem>>, vector<16xi32>,
    %swap3A_60 = vector.shape_cast %swap3A_59 : vector<16xi32> to vector<16xi32>
    %swap3A_61 = vector.shape_cast %scan3A_45#9 : vector<16xi32> to vector<16xi32>
    tpu.vector_store %arg13[%swap3A_58], %swap3A_61 {strides = array<i32>} : memref<128xi32, #tpu.memory_space<vmem>>, vector<16xi32>,
    %swap3A_62 = arith.constant 32 : index
    %swap3A_63 = tpu.vector_load %arg12[%swap3A_62] {strides = array<i32>} : memref<128xf32, #tpu.memory_space<vmem>>, vector<16xf32>,
    %swap3A_64 = vector.shape_cast %swap3A_63 : vector<16xf32> to vector<16xf32>
    %swap3A_65 = vector.shape_cast %scan3A_45#2 : vector<16xf32> to vector<16xf32>
    tpu.vector_store %arg12[%swap3A_62], %swap3A_65 {strides = array<i32>} : memref<128xf32, #tpu.memory_space<vmem>>, vector<16xf32>,
    %swap3A_66 = arith.constant 32 : index
    %swap3A_67 = tpu.vector_load %arg13[%swap3A_66] {strides = array<i32>} : memref<128xi32, #tpu.memory_space<vmem>>, vector<16xi32>,
    %swap3A_68 = vector.shape_cast %swap3A_67 : vector<16xi32> to vector<16xi32>
    %swap3A_69 = vector.shape_cast %scan3A_45#10 : vector<16xi32> to vector<16xi32>
    tpu.vector_store %arg13[%swap3A_66], %swap3A_69 {strides = array<i32>} : memref<128xi32, #tpu.memory_space<vmem>>, vector<16xi32>,
    %swap3A_70 = arith.constant 48 : index
    %swap3A_71 = tpu.vector_load %arg12[%swap3A_70] {strides = array<i32>} : memref<128xf32, #tpu.memory_space<vmem>>, vector<16xf32>,
    %swap3A_72 = vector.shape_cast %swap3A_71 : vector<16xf32> to vector<16xf32>
    %swap3A_73 = vector.shape_cast %scan3A_45#3 : vector<16xf32> to vector<16xf32>
    tpu.vector_store %arg12[%swap3A_70], %swap3A_73 {strides = array<i32>} : memref<128xf32, #tpu.memory_space<vmem>>, vector<16xf32>,
    %swap3A_74 = arith.constant 48 : index
    %swap3A_75 = tpu.vector_load %arg13[%swap3A_74] {strides = array<i32>} : memref<128xi32, #tpu.memory_space<vmem>>, vector<16xi32>,
    %swap3A_76 = vector.shape_cast %swap3A_75 : vector<16xi32> to vector<16xi32>
    %swap3A_77 = vector.shape_cast %scan3A_45#11 : vector<16xi32> to vector<16xi32>
    tpu.vector_store %arg13[%swap3A_74], %swap3A_77 {strides = array<i32>} : memref<128xi32, #tpu.memory_space<vmem>>, vector<16xi32>,
    %swap3A_78 = arith.constant 64 : index
    %swap3A_79 = tpu.vector_load %arg12[%swap3A_78] {strides = array<i32>} : memref<128xf32, #tpu.memory_space<vmem>>, vector<16xf32>,
    %swap3A_80 = vector.shape_cast %swap3A_79 : vector<16xf32> to vector<16xf32>
    %swap3A_81 = vector.shape_cast %scan3A_45#4 : vector<16xf32> to vector<16xf32>
    tpu.vector_store %arg12[%swap3A_78], %swap3A_81 {strides = array<i32>} : memref<128xf32, #tpu.memory_space<vmem>>, vector<16xf32>,
    %swap3A_82 = arith.constant 64 : index
    %swap3A_83 = tpu.vector_load %arg13[%swap3A_82] {strides = array<i32>} : memref<128xi32, #tpu.memory_space<vmem>>, vector<16xi32>,
    %swap3A_84 = vector.shape_cast %swap3A_83 : vector<16xi32> to vector<16xi32>
    %swap3A_85 = vector.shape_cast %scan3A_45#12 : vector<16xi32> to vector<16xi32>
    tpu.vector_store %arg13[%swap3A_82], %swap3A_85 {strides = array<i32>} : memref<128xi32, #tpu.memory_space<vmem>>, vector<16xi32>,
    %swap3A_86 = arith.constant 80 : index
    %swap3A_87 = tpu.vector_load %arg12[%swap3A_86] {strides = array<i32>} : memref<128xf32, #tpu.memory_space<vmem>>, vector<16xf32>,
    %swap3A_88 = vector.shape_cast %swap3A_87 : vector<16xf32> to vector<16xf32>
    %swap3A_89 = vector.shape_cast %scan3A_45#5 : vector<16xf32> to vector<16xf32>
    tpu.vector_store %arg12[%swap3A_86], %swap3A_89 {strides = array<i32>} : memref<128xf32, #tpu.memory_space<vmem>>, vector<16xf32>,
    %swap3A_90 = arith.constant 80 : index
    %swap3A_91 = tpu.vector_load %arg13[%swap3A_90] {strides = array<i32>} : memref<128xi32, #tpu.memory_space<vmem>>, vector<16xi32>,
    %swap3A_92 = vector.shape_cast %swap3A_91 : vector<16xi32> to vector<16xi32>
    %swap3A_93 = vector.shape_cast %scan3A_45#13 : vector<16xi32> to vector<16xi32>
    tpu.vector_store %arg13[%swap3A_90], %swap3A_93 {strides = array<i32>} : memref<128xi32, #tpu.memory_space<vmem>>, vector<16xi32>,
    %swap3A_94 = arith.constant 96 : index
    %swap3A_95 = tpu.vector_load %arg12[%swap3A_94] {strides = array<i32>} : memref<128xf32, #tpu.memory_space<vmem>>, vector<16xf32>,
    %swap3A_96 = vector.shape_cast %swap3A_95 : vector<16xf32> to vector<16xf32>
    %swap3A_97 = vector.shape_cast %scan3A_45#6 : vector<16xf32> to vector<16xf32>
    tpu.vector_store %arg12[%swap3A_94], %swap3A_97 {strides = array<i32>} : memref<128xf32, #tpu.memory_space<vmem>>, vector<16xf32>,
    %swap3A_98 = arith.constant 96 : index
    %swap3A_99 = tpu.vector_load %arg13[%swap3A_98] {strides = array<i32>} : memref<128xi32, #tpu.memory_space<vmem>>, vector<16xi32>,
    %swap3A_100 = vector.shape_cast %swap3A_99 : vector<16xi32> to vector<16xi32>
    %swap3A_101 = vector.shape_cast %scan3A_45#14 : vector<16xi32> to vector<16xi32>
    tpu.vector_store %arg13[%swap3A_98], %swap3A_101 {strides = array<i32>} : memref<128xi32, #tpu.memory_space<vmem>>, vector<16xi32>,
    %swap3A_102 = arith.constant 112 : index
    %swap3A_103 = tpu.vector_load %arg12[%swap3A_102] {strides = array<i32>} : memref<128xf32, #tpu.memory_space<vmem>>, vector<16xf32>,
    %swap3A_104 = vector.shape_cast %swap3A_103 : vector<16xf32> to vector<16xf32>
    %swap3A_105 = vector.shape_cast %scan3A_45#7 : vector<16xf32> to vector<16xf32>
    tpu.vector_store %arg12[%swap3A_102], %swap3A_105 {strides = array<i32>} : memref<128xf32, #tpu.memory_space<vmem>>, vector<16xf32>,
    %swap3A_106 = arith.constant 112 : index
    %swap3A_107 = tpu.vector_load %arg13[%swap3A_106] {strides = array<i32>} : memref<128xi32, #tpu.memory_space<vmem>>, vector<16xi32>,
    %swap3A_108 = vector.shape_cast %swap3A_107 : vector<16xi32> to vector<16xi32>
    %swap3A_109 = vector.shape_cast %scan3A_45#15 : vector<16xi32> to vector<16xi32>
    tpu.vector_store %arg13[%swap3A_106], %swap3A_109 {strides = array<i32>} : memref<128xi32, #tpu.memory_space<vmem>>, vector<16xi32>,
    "tpu.region"() ({
      %run_scoped3A = tpu.sem_alloc : memref<!tpu.dma_semaphore, #tpu.memory_space<semaphore_mem>>
      %dma_start3A = arith.constant 0 : i32
      %dma_start3A_225 = tpu.memref_slice %arg6[%mul3A_2, %dma_start3A] : memref<64x128xf32, #tpu.memory_space<hbm>> -> memref<1x128xf32, #tpu.memory_space<hbm>>
      %dma_start3A_226 = tpu.memref_squeeze %dma_start3A_225 : memref<1x128xf32, #tpu.memory_space<hbm>> -> memref<128xf32, #tpu.memory_space<hbm>>
      %dma_start3A_227 = arith.constant 0 : i32
      %dma_start3A_228 = tpu.memref_slice %arg6[%mul3A_2, %dma_start3A_227] : memref<64x128xf32, #tpu.memory_space<hbm>> -> memref<1x128xf32, #tpu.memory_space<hbm>>
      %dma_start3A_229 = tpu.memref_squeeze %dma_start3A_228 : memref<1x128xf32, #tpu.memory_space<hbm>> -> memref<128xf32, #tpu.memory_space<hbm>>
      tpu.enqueue_dma source(%arg12 : memref<128xf32, #tpu.memory_space<vmem>>) target(%dma_start3A_229 : memref<128xf32, #tpu.memory_space<hbm>>) target_semaphore(%run_scoped3A : memref<!tpu.dma_semaphore, #tpu.memory_space<semaphore_mem>>)
      %dma_wait3A = arith.constant 0 : i32
      %dma_wait3A_230 = tpu.memref_slice %arg6[%mul3A_2, %dma_wait3A] : memref<64x128xf32, #tpu.memory_space<hbm>> -> memref<1x128xf32, #tpu.memory_space<hbm>>
      %dma_wait3A_231 = tpu.memref_squeeze %dma_wait3A_230 : memref<1x128xf32, #tpu.memory_space<hbm>> -> memref<128xf32, #tpu.memory_space<hbm>>
      %dma_wait3A_232 = arith.constant 0 : i32
      %dma_wait3A_233 = tpu.memref_slice %arg6[%mul3A_2, %dma_wait3A_232] : memref<64x128xf32, #tpu.memory_space<hbm>> -> memref<1x128xf32, #tpu.memory_space<hbm>>
      %dma_wait3A_234 = tpu.memref_squeeze %dma_wait3A_233 : memref<1x128xf32, #tpu.memory_space<hbm>> -> memref<128xf32, #tpu.memory_space<hbm>>
      tpu.wait_dma2 semaphore(%run_scoped3A : memref<!tpu.dma_semaphore, #tpu.memory_space<semaphore_mem>>) src(%arg12 : memref<128xf32, #tpu.memory_space<vmem>>) dst(%dma_wait3A_234 : memref<128xf32, #tpu.memory_space<hbm>>)
      tpu.yield
    }) : () -> ()
    "tpu.region"() ({
      %run_scoped3A = tpu.sem_alloc : memref<!tpu.dma_semaphore, #tpu.memory_space<semaphore_mem>>
      %dma_start3A = arith.constant 0 : i32
      %dma_start3A_225 = tpu.memref_slice %arg7[%mul3A_2, %dma_start3A] : memref<64x128xi32, #tpu.memory_space<hbm>> -> memref<1x128xi32, #tpu.memory_space<hbm>>
      %dma_start3A_226 = tpu.memref_squeeze %dma_start3A_225 : memref<1x128xi32, #tpu.memory_space<hbm>> -> memref<128xi32, #tpu.memory_space<hbm>>
      %dma_start3A_227 = arith.constant 0 : i32
      %dma_start3A_228 = tpu.memref_slice %arg7[%mul3A_2, %dma_start3A_227] : memref<64x128xi32, #tpu.memory_space<hbm>> -> memref<1x128xi32, #tpu.memory_space<hbm>>
      %dma_start3A_229 = tpu.memref_squeeze %dma_start3A_228 : memref<1x128xi32, #tpu.memory_space<hbm>> -> memref<128xi32, #tpu.memory_space<hbm>>
      tpu.enqueue_dma source(%arg13 : memref<128xi32, #tpu.memory_space<vmem>>) target(%dma_start3A_229 : memref<128xi32, #tpu.memory_space<hbm>>) target_semaphore(%run_scoped3A : memref<!tpu.dma_semaphore, #tpu.memory_space<semaphore_mem>>)
      %dma_wait3A = arith.constant 0 : i32
      %dma_wait3A_230 = tpu.memref_slice %arg7[%mul3A_2, %dma_wait3A] : memref<64x128xi32, #tpu.memory_space<hbm>> -> memref<1x128xi32, #tpu.memory_space<hbm>>
      %dma_wait3A_231 = tpu.memref_squeeze %dma_wait3A_230 : memref<1x128xi32, #tpu.memory_space<hbm>> -> memref<128xi32, #tpu.memory_space<hbm>>
      %dma_wait3A_232 = arith.constant 0 : i32
      %dma_wait3A_233 = tpu.memref_slice %arg7[%mul3A_2, %dma_wait3A_232] : memref<64x128xi32, #tpu.memory_space<hbm>> -> memref<1x128xi32, #tpu.memory_space<hbm>>
      %dma_wait3A_234 = tpu.memref_squeeze %dma_wait3A_233 : memref<1x128xi32, #tpu.memory_space<hbm>> -> memref<128xi32, #tpu.memory_space<hbm>>
      tpu.wait_dma2 semaphore(%run_scoped3A : memref<!tpu.dma_semaphore, #tpu.memory_space<semaphore_mem>>) src(%arg13 : memref<128xi32, #tpu.memory_space<vmem>>) dst(%dma_wait3A_234 : memref<128xi32, #tpu.memory_space<hbm>>)
      tpu.yield
    }) : () -> ()
    %mul3A_110 = arith.constant 2 : i32
    %mul3A_111 = arith.muli %add3A, %mul3A_110 : i32
    %add3A_112 = arith.constant 1 : i32
    %add3A_113 = arith.addi %mul3A_111, %add3A_112 : i32
    "tpu.region"() ({
      %run_scoped3A = tpu.sem_alloc : memref<!tpu.dma_semaphore, #tpu.memory_space<semaphore_mem>>
      %dma_start3A = arith.constant 0 : i32
      %dma_start3A_225 = tpu.memref_slice %arg2[%add3A_113, %dma_start3A] : memref<64x48xf32, #tpu.memory_space<hbm>> -> memref<1x48xf32, #tpu.memory_space<hbm>>
      %dma_start3A_226 = tpu.memref_squeeze %dma_start3A_225 : memref<1x48xf32, #tpu.memory_space<hbm>> -> memref<48xf32, #tpu.memory_space<hbm>>
      %dma_start3A_227 = arith.constant 0 : i32
      %dma_start3A_228 = tpu.memref_slice %arg2[%add3A_113, %dma_start3A_227] : memref<64x48xf32, #tpu.memory_space<hbm>> -> memref<1x48xf32, #tpu.memory_space<hbm>>
      %dma_start3A_229 = tpu.memref_squeeze %dma_start3A_228 : memref<1x48xf32, #tpu.memory_space<hbm>> -> memref<48xf32, #tpu.memory_space<hbm>>
      tpu.enqueue_dma source(%dma_start3A_229 : memref<48xf32, #tpu.memory_space<hbm>>) target(%arg11 : memref<48xf32, #tpu.memory_space<vmem>>) target_semaphore(%run_scoped3A : memref<!tpu.dma_semaphore, #tpu.memory_space<semaphore_mem>>)
      %dma_wait3A = arith.constant 0 : i32
      %dma_wait3A_230 = tpu.memref_slice %arg2[%add3A_113, %dma_wait3A] : memref<64x48xf32, #tpu.memory_space<hbm>> -> memref<1x48xf32, #tpu.memory_space<hbm>>
      %dma_wait3A_231 = tpu.memref_squeeze %dma_wait3A_230 : memref<1x48xf32, #tpu.memory_space<hbm>> -> memref<48xf32, #tpu.memory_space<hbm>>
      %dma_wait3A_232 = arith.constant 0 : i32
      %dma_wait3A_233 = tpu.memref_slice %arg2[%add3A_113, %dma_wait3A_232] : memref<64x48xf32, #tpu.memory_space<hbm>> -> memref<1x48xf32, #tpu.memory_space<hbm>>
      %dma_wait3A_234 = tpu.memref_squeeze %dma_wait3A_233 : memref<1x48xf32, #tpu.memory_space<hbm>> -> memref<48xf32, #tpu.memory_space<hbm>>
      tpu.wait_dma2 semaphore(%run_scoped3A : memref<!tpu.dma_semaphore, #tpu.memory_space<semaphore_mem>>) src(%dma_wait3A_234 : memref<48xf32, #tpu.memory_space<hbm>>) dst(%arg11 : memref<48xf32, #tpu.memory_space<vmem>>)
      tpu.yield
    }) : () -> ()
    %get3A_114 = arith.constant 0 : index
    %get3A_115 = tpu.vector_load %arg11[%get3A_114] {strides = array<i32>} : memref<48xf32, #tpu.memory_space<vmem>>, vector<16xf32>,
    %get3A_116 = vector.shape_cast %get3A_115 : vector<16xf32> to vector<16xf32>
    %get3A_117 = arith.constant 16 : index
    %get3A_118 = tpu.vector_load %arg11[%get3A_117] {strides = array<i32>} : memref<48xf32, #tpu.memory_space<vmem>>, vector<16xf32>,
    %get3A_119 = vector.shape_cast %get3A_118 : vector<16xf32> to vector<16xf32>
    %get3A_120 = arith.constant 32 : index
    %get3A_121 = tpu.vector_load %arg11[%get3A_120] {strides = array<i32>} : memref<48xf32, #tpu.memory_space<vmem>>, vector<16xf32>,
    %get3A_122 = vector.shape_cast %get3A_121 : vector<16xf32> to vector<16xf32>
    %broadcast_in_dim3A_123 = arith.constant 0x7F800000 : f32
    %broadcast_in_dim3A_124 = vector.broadcast %broadcast_in_dim3A_123 : f32 to vector<16xf32>
    %broadcast_in_dim3A_125 = arith.constant 0x7F800000 : f32
    %broadcast_in_dim3A_126 = vector.broadcast %broadcast_in_dim3A_125 : f32 to vector<16xf32>
    %broadcast_in_dim3A_127 = arith.constant 0x7F800000 : f32
    %broadcast_in_dim3A_128 = vector.broadcast %broadcast_in_dim3A_127 : f32 to vector<16xf32>
    %broadcast_in_dim3A_129 = arith.constant 0x7F800000 : f32
    %broadcast_in_dim3A_130 = vector.broadcast %broadcast_in_dim3A_129 : f32 to vector<16xf32>
    %broadcast_in_dim3A_131 = arith.constant 0x7F800000 : f32
    %broadcast_in_dim3A_132 = vector.broadcast %broadcast_in_dim3A_131 : f32 to vector<16xf32>
    %broadcast_in_dim3A_133 = arith.constant 0x7F800000 : f32
    %broadcast_in_dim3A_134 = vector.broadcast %broadcast_in_dim3A_133 : f32 to vector<16xf32>
    %broadcast_in_dim3A_135 = arith.constant 0x7F800000 : f32
    %broadcast_in_dim3A_136 = vector.broadcast %broadcast_in_dim3A_135 : f32 to vector<16xf32>
    %broadcast_in_dim3A_137 = arith.constant 0x7F800000 : f32
    %broadcast_in_dim3A_138 = vector.broadcast %broadcast_in_dim3A_137 : f32 to vector<16xf32>
    %broadcast_in_dim3A_139 = arith.constant 1073741824 : i32
    %broadcast_in_dim3A_140 = vector.broadcast %broadcast_in_dim3A_139 : i32 to vector<16xi32>
    %broadcast_in_dim3A_141 = arith.constant 1073741824 : i32
    %broadcast_in_dim3A_142 = vector.broadcast %broadcast_in_dim3A_141 : i32 to vector<16xi32>
    %broadcast_in_dim3A_143 = arith.constant 1073741824 : i32
    %broadcast_in_dim3A_144 = vector.broadcast %broadcast_in_dim3A_143 : i32 to vector<16xi32>
    %broadcast_in_dim3A_145 = arith.constant 1073741824 : i32
    %broadcast_in_dim3A_146 = vector.broadcast %broadcast_in_dim3A_145 : i32 to vector<16xi32>
    %broadcast_in_dim3A_147 = arith.constant 1073741824 : i32
    %broadcast_in_dim3A_148 = vector.broadcast %broadcast_in_dim3A_147 : i32 to vector<16xi32>
    %broadcast_in_dim3A_149 = arith.constant 1073741824 : i32
    %broadcast_in_dim3A_150 = vector.broadcast %broadcast_in_dim3A_149 : i32 to vector<16xi32>
    %broadcast_in_dim3A_151 = arith.constant 1073741824 : i32
    %broadcast_in_dim3A_152 = vector.broadcast %broadcast_in_dim3A_151 : i32 to vector<16xi32>
    %broadcast_in_dim3A_153 = arith.constant 1073741824 : i32
    %broadcast_in_dim3A_154 = vector.broadcast %broadcast_in_dim3A_153 : i32 to vector<16xi32>
    %scan3A_155 = arith.constant 0 : i32
    %scan3A_156 = arith.constant 64 : i32
    %scan3A_157 = arith.addi %scan3A_155, %scan3A_156 : i32
    %scan3A_158 = arith.constant 1 : i32
    %scan3A_159:16 = scf.for %scan3A_225 = %scan3A_155 to %scan3A_157 step %scan3A_158 iter_args(%scan3A_226 = %broadcast_in_dim3A_124, %scan3A_227 = %broadcast_in_dim3A_126, %scan3A_228 = %broadcast_in_dim3A_128, %scan3A_229 = %broadcast_in_dim3A_130, %scan3A_230 = %broadcast_in_dim3A_132, %scan3A_231 = %broadcast_in_dim3A_134, %scan3A_232 = %broadcast_in_dim3A_136, %scan3A_233 = %broadcast_in_dim3A_138, %scan3A_234 = %broadcast_in_dim3A_140, %scan3A_235 = %broadcast_in_dim3A_142, %scan3A_236 = %broadcast_in_dim3A_144, %scan3A_237 = %broadcast_in_dim3A_146, %scan3A_238 = %broadcast_in_dim3A_148, %scan3A_239 = %broadcast_in_dim3A_150, %scan3A_240 = %broadcast_in_dim3A_152, %scan3A_241 = %broadcast_in_dim3A_154) -> (vector<16xf32>, vector<16xf32>, vector<16xf32>, vector<16xf32>, vector<16xf32>, vector<16xf32>, vector<16xf32>, vector<16xf32>, vector<16xi32>, vector<16xi32>, vector<16xi32>, vector<16xi32>, vector<16xi32>, vector<16xi32>, vector<16xi32>, vector<16xi32>)  : i32 {
      %mul3A_242 = arith.constant 16 : i32
      %mul3A_243 = arith.muli %scan3A_225, %mul3A_242 : i32
      %get3A_244 = arith.index_cast %mul3A_243 : i32 to index
      %get3A_245 = tpu.vector_load %arg8[%get3A_244] {strides = array<i32>} : memref<1024xf32, #tpu.memory_space<vmem>>, vector<16xf32>,
      %get3A_246 = vector.shape_cast %get3A_245 : vector<16xf32> to vector<16xf32>
      %sub3A = arith.subf %get3A_246, %get3A_116 : vector<16xf32>
      %get3A_247 = arith.index_cast %mul3A_243 : i32 to index
      %get3A_248 = tpu.vector_load %arg9[%get3A_247] {strides = array<i32>} : memref<1024xf32, #tpu.memory_space<vmem>>, vector<16xf32>,
      %get3A_249 = vector.shape_cast %get3A_248 : vector<16xf32> to vector<16xf32>
      %sub3A_250 = arith.subf %get3A_249, %get3A_119 : vector<16xf32>
      %get3A_251 = arith.index_cast %mul3A_243 : i32 to index
      %get3A_252 = tpu.vector_load %arg10[%get3A_251] {strides = array<i32>} : memref<1024xf32, #tpu.memory_space<vmem>>, vector<16xf32>,
      %get3A_253 = vector.shape_cast %get3A_252 : vector<16xf32> to vector<16xf32>
      %sub3A_254 = arith.subf %get3A_253, %get3A_122 : vector<16xf32>
      %mul3A_255 = arith.mulf %sub3A, %sub3A : vector<16xf32>
      %mul3A_256 = arith.mulf %sub3A_250, %sub3A_250 : vector<16xf32>
      %add3A_257 = arith.addf %mul3A_255, %mul3A_256 : vector<16xf32>
      %mul3A_258 = arith.mulf %sub3A_254, %sub3A_254 : vector<16xf32>
      %add3A_259 = arith.addf %add3A_257, %mul3A_258 : vector<16xf32>
      %add3A_260 = vector.broadcast %mul3A_243 : i32 to vector<16xi32>
      %add3A_261 = arith.addi %iota3A, %add3A_260 : vector<16xi32>
      %lt3A = arith.cmpf olt, %add3A_259, %scan3A_226 : vector<16xf32>
      %select_n3A = arith.select %lt3A, %add3A_259, %scan3A_226 : vector<16xi1>, vector<16xf32>
      %select_n3A_262 = arith.select %lt3A, %add3A_261, %scan3A_234 : vector<16xi1>, vector<16xi32>
      %select_n3A_263 = arith.select %lt3A, %scan3A_226, %add3A_259 : vector<16xi1>, vector<16xf32>
      %select_n3A_264 = arith.select %lt3A, %scan3A_234, %add3A_261 : vector<16xi1>, vector<16xi32>
      %lt3A_265 = arith.cmpf olt, %select_n3A_263, %scan3A_227 : vector<16xf32>
      %select_n3A_266 = arith.select %lt3A_265, %select_n3A_263, %scan3A_227 : vector<16xi1>, vector<16xf32>
      %select_n3A_267 = arith.select %lt3A_265, %select_n3A_264, %scan3A_235 : vector<16xi1>, vector<16xi32>
      %select_n3A_268 = arith.select %lt3A_265, %scan3A_227, %select_n3A_263 : vector<16xi1>, vector<16xf32>
      %select_n3A_269 = arith.select %lt3A_265, %scan3A_235, %select_n3A_264 : vector<16xi1>, vector<16xi32>
      %lt3A_270 = arith.cmpf olt, %select_n3A_268, %scan3A_228 : vector<16xf32>
      %select_n3A_271 = arith.select %lt3A_270, %select_n3A_268, %scan3A_228 : vector<16xi1>, vector<16xf32>
      %select_n3A_272 = arith.select %lt3A_270, %select_n3A_269, %scan3A_236 : vector<16xi1>, vector<16xi32>
      %select_n3A_273 = arith.select %lt3A_270, %scan3A_228, %select_n3A_268 : vector<16xi1>, vector<16xf32>
      %select_n3A_274 = arith.select %lt3A_270, %scan3A_236, %select_n3A_269 : vector<16xi1>, vector<16xi32>
      %lt3A_275 = arith.cmpf olt, %select_n3A_273, %scan3A_229 : vector<16xf32>
      %select_n3A_276 = arith.select %lt3A_275, %select_n3A_273, %scan3A_229 : vector<16xi1>, vector<16xf32>
      %select_n3A_277 = arith.select %lt3A_275, %select_n3A_274, %scan3A_237 : vector<16xi1>, vector<16xi32>
      %select_n3A_278 = arith.select %lt3A_275, %scan3A_229, %select_n3A_273 : vector<16xi1>, vector<16xf32>
      %select_n3A_279 = arith.select %lt3A_275, %scan3A_237, %select_n3A_274 : vector<16xi1>, vector<16xi32>
      %lt3A_280 = arith.cmpf olt, %select_n3A_278, %scan3A_230 : vector<16xf32>
      %select_n3A_281 = arith.select %lt3A_280, %select_n3A_278, %scan3A_230 : vector<16xi1>, vector<16xf32>
      %select_n3A_282 = arith.select %lt3A_280, %select_n3A_279, %scan3A_238 : vector<16xi1>, vector<16xi32>
      %select_n3A_283 = arith.select %lt3A_280, %scan3A_230, %select_n3A_278 : vector<16xi1>, vector<16xf32>
      %select_n3A_284 = arith.select %lt3A_280, %scan3A_238, %select_n3A_279 : vector<16xi1>, vector<16xi32>
      %lt3A_285 = arith.cmpf olt, %select_n3A_283, %scan3A_231 : vector<16xf32>
      %select_n3A_286 = arith.select %lt3A_285, %select_n3A_283, %scan3A_231 : vector<16xi1>, vector<16xf32>
      %select_n3A_287 = arith.select %lt3A_285, %select_n3A_284, %scan3A_239 : vector<16xi1>, vector<16xi32>
      %select_n3A_288 = arith.select %lt3A_285, %scan3A_231, %select_n3A_283 : vector<16xi1>, vector<16xf32>
      %select_n3A_289 = arith.select %lt3A_285, %scan3A_239, %select_n3A_284 : vector<16xi1>, vector<16xi32>
      %lt3A_290 = arith.cmpf olt, %select_n3A_288, %scan3A_232 : vector<16xf32>
      %select_n3A_291 = arith.select %lt3A_290, %select_n3A_288, %scan3A_232 : vector<16xi1>, vector<16xf32>
      %select_n3A_292 = arith.select %lt3A_290, %select_n3A_289, %scan3A_240 : vector<16xi1>, vector<16xi32>
      %select_n3A_293 = arith.select %lt3A_290, %scan3A_232, %select_n3A_288 : vector<16xi1>, vector<16xf32>
      %select_n3A_294 = arith.select %lt3A_290, %scan3A_240, %select_n3A_289 : vector<16xi1>, vector<16xi32>
      %lt3A_295 = arith.cmpf olt, %select_n3A_293, %scan3A_233 : vector<16xf32>
      %select_n3A_296 = arith.select %lt3A_295, %select_n3A_293, %scan3A_233 : vector<16xi1>, vector<16xf32>
      %select_n3A_297 = arith.select %lt3A_295, %select_n3A_294, %scan3A_241 : vector<16xi1>, vector<16xi32>
      %select_n3A_298 = arith.select %lt3A_295, %scan3A_233, %select_n3A_293 : vector<16xi1>, vector<16xf32>
      %select_n3A_299 = arith.select %lt3A_295, %scan3A_241, %select_n3A_294 : vector<16xi1>, vector<16xi32>
      scf.yield %select_n3A, %select_n3A_266, %select_n3A_271, %select_n3A_276, %select_n3A_281, %select_n3A_286, %select_n3A_291, %select_n3A_296, %select_n3A_262, %select_n3A_267, %select_n3A_272, %select_n3A_277, %select_n3A_282, %select_n3A_287, %select_n3A_292, %select_n3A_297 : vector<16xf32>, vector<16xf32>, vector<16xf32>, vector<16xf32>, vector<16xf32>, vector<16xf32>, vector<16xf32>, vector<16xf32>, vector<16xi32>, vector<16xi32>, vector<16xi32>, vector<16xi32>, vector<16xi32>, vector<16xi32>, vector<16xi32>, vector<16xi32>
    }
    %scan3A_160 = arith.constant 64 : i32
    %swap3A_161 = arith.constant 0 : index
    %swap3A_162 = tpu.vector_load %arg12[%swap3A_161] {strides = array<i32>} : memref<128xf32, #tpu.memory_space<vmem>>, vector<16xf32>,
    %swap3A_163 = vector.shape_cast %swap3A_162 : vector<16xf32> to vector<16xf32>
    %swap3A_164 = vector.shape_cast %scan3A_159#0 : vector<16xf32> to vector<16xf32>
    tpu.vector_store %arg12[%swap3A_161], %swap3A_164 {strides = array<i32>} : memref<128xf32, #tpu.memory_space<vmem>>, vector<16xf32>,
    %swap3A_165 = arith.constant 0 : index
    %swap3A_166 = tpu.vector_load %arg13[%swap3A_165] {strides = array<i32>} : memref<128xi32, #tpu.memory_space<vmem>>, vector<16xi32>,
    %swap3A_167 = vector.shape_cast %swap3A_166 : vector<16xi32> to vector<16xi32>
    %swap3A_168 = vector.shape_cast %scan3A_159#8 : vector<16xi32> to vector<16xi32>
    tpu.vector_store %arg13[%swap3A_165], %swap3A_168 {strides = array<i32>} : memref<128xi32, #tpu.memory_space<vmem>>, vector<16xi32>,
    %swap3A_169 = arith.constant 16 : index
    %swap3A_170 = tpu.vector_load %arg12[%swap3A_169] {strides = array<i32>} : memref<128xf32, #tpu.memory_space<vmem>>, vector<16xf32>,
    %swap3A_171 = vector.shape_cast %swap3A_170 : vector<16xf32> to vector<16xf32>
    %swap3A_172 = vector.shape_cast %scan3A_159#1 : vector<16xf32> to vector<16xf32>
    tpu.vector_store %arg12[%swap3A_169], %swap3A_172 {strides = array<i32>} : memref<128xf32, #tpu.memory_space<vmem>>, vector<16xf32>,
    %swap3A_173 = arith.constant 16 : index
    %swap3A_174 = tpu.vector_load %arg13[%swap3A_173] {strides = array<i32>} : memref<128xi32, #tpu.memory_space<vmem>>, vector<16xi32>,
    %swap3A_175 = vector.shape_cast %swap3A_174 : vector<16xi32> to vector<16xi32>
    %swap3A_176 = vector.shape_cast %scan3A_159#9 : vector<16xi32> to vector<16xi32>
    tpu.vector_store %arg13[%swap3A_173], %swap3A_176 {strides = array<i32>} : memref<128xi32, #tpu.memory_space<vmem>>, vector<16xi32>,
    %swap3A_177 = arith.constant 32 : index
    %swap3A_178 = tpu.vector_load %arg12[%swap3A_177] {strides = array<i32>} : memref<128xf32, #tpu.memory_space<vmem>>, vector<16xf32>,
    %swap3A_179 = vector.shape_cast %swap3A_178 : vector<16xf32> to vector<16xf32>
    %swap3A_180 = vector.shape_cast %scan3A_159#2 : vector<16xf32> to vector<16xf32>
    tpu.vector_store %arg12[%swap3A_177], %swap3A_180 {strides = array<i32>} : memref<128xf32, #tpu.memory_space<vmem>>, vector<16xf32>,
    %swap3A_181 = arith.constant 32 : index
    %swap3A_182 = tpu.vector_load %arg13[%swap3A_181] {strides = array<i32>} : memref<128xi32, #tpu.memory_space<vmem>>, vector<16xi32>,
    %swap3A_183 = vector.shape_cast %swap3A_182 : vector<16xi32> to vector<16xi32>
    %swap3A_184 = vector.shape_cast %scan3A_159#10 : vector<16xi32> to vector<16xi32>
    tpu.vector_store %arg13[%swap3A_181], %swap3A_184 {strides = array<i32>} : memref<128xi32, #tpu.memory_space<vmem>>, vector<16xi32>,
    %swap3A_185 = arith.constant 48 : index
    %swap3A_186 = tpu.vector_load %arg12[%swap3A_185] {strides = array<i32>} : memref<128xf32, #tpu.memory_space<vmem>>, vector<16xf32>,
    %swap3A_187 = vector.shape_cast %swap3A_186 : vector<16xf32> to vector<16xf32>
    %swap3A_188 = vector.shape_cast %scan3A_159#3 : vector<16xf32> to vector<16xf32>
    tpu.vector_store %arg12[%swap3A_185], %swap3A_188 {strides = array<i32>} : memref<128xf32, #tpu.memory_space<vmem>>, vector<16xf32>,
    %swap3A_189 = arith.constant 48 : index
    %swap3A_190 = tpu.vector_load %arg13[%swap3A_189] {strides = array<i32>} : memref<128xi32, #tpu.memory_space<vmem>>, vector<16xi32>,
    %swap3A_191 = vector.shape_cast %swap3A_190 : vector<16xi32> to vector<16xi32>
    %swap3A_192 = vector.shape_cast %scan3A_159#11 : vector<16xi32> to vector<16xi32>
    tpu.vector_store %arg13[%swap3A_189], %swap3A_192 {strides = array<i32>} : memref<128xi32, #tpu.memory_space<vmem>>, vector<16xi32>,
    %swap3A_193 = arith.constant 64 : index
    %swap3A_194 = tpu.vector_load %arg12[%swap3A_193] {strides = array<i32>} : memref<128xf32, #tpu.memory_space<vmem>>, vector<16xf32>,
    %swap3A_195 = vector.shape_cast %swap3A_194 : vector<16xf32> to vector<16xf32>
    %swap3A_196 = vector.shape_cast %scan3A_159#4 : vector<16xf32> to vector<16xf32>
    tpu.vector_store %arg12[%swap3A_193], %swap3A_196 {strides = array<i32>} : memref<128xf32, #tpu.memory_space<vmem>>, vector<16xf32>,
    %swap3A_197 = arith.constant 64 : index
    %swap3A_198 = tpu.vector_load %arg13[%swap3A_197] {strides = array<i32>} : memref<128xi32, #tpu.memory_space<vmem>>, vector<16xi32>,
    %swap3A_199 = vector.shape_cast %swap3A_198 : vector<16xi32> to vector<16xi32>
    %swap3A_200 = vector.shape_cast %scan3A_159#12 : vector<16xi32> to vector<16xi32>
    tpu.vector_store %arg13[%swap3A_197], %swap3A_200 {strides = array<i32>} : memref<128xi32, #tpu.memory_space<vmem>>, vector<16xi32>,
    %swap3A_201 = arith.constant 80 : index
    %swap3A_202 = tpu.vector_load %arg12[%swap3A_201] {strides = array<i32>} : memref<128xf32, #tpu.memory_space<vmem>>, vector<16xf32>,
    %swap3A_203 = vector.shape_cast %swap3A_202 : vector<16xf32> to vector<16xf32>
    %swap3A_204 = vector.shape_cast %scan3A_159#5 : vector<16xf32> to vector<16xf32>
    tpu.vector_store %arg12[%swap3A_201], %swap3A_204 {strides = array<i32>} : memref<128xf32, #tpu.memory_space<vmem>>, vector<16xf32>,
    %swap3A_205 = arith.constant 80 : index
    %swap3A_206 = tpu.vector_load %arg13[%swap3A_205] {strides = array<i32>} : memref<128xi32, #tpu.memory_space<vmem>>, vector<16xi32>,
    %swap3A_207 = vector.shape_cast %swap3A_206 : vector<16xi32> to vector<16xi32>
    %swap3A_208 = vector.shape_cast %scan3A_159#13 : vector<16xi32> to vector<16xi32>
    tpu.vector_store %arg13[%swap3A_205], %swap3A_208 {strides = array<i32>} : memref<128xi32, #tpu.memory_space<vmem>>, vector<16xi32>,
    %swap3A_209 = arith.constant 96 : index
    %swap3A_210 = tpu.vector_load %arg12[%swap3A_209] {strides = array<i32>} : memref<128xf32, #tpu.memory_space<vmem>>, vector<16xf32>,
    %swap3A_211 = vector.shape_cast %swap3A_210 : vector<16xf32> to vector<16xf32>
    %swap3A_212 = vector.shape_cast %scan3A_159#6 : vector<16xf32> to vector<16xf32>
    tpu.vector_store %arg12[%swap3A_209], %swap3A_212 {strides = array<i32>} : memref<128xf32, #tpu.memory_space<vmem>>, vector<16xf32>,
    %swap3A_213 = arith.constant 96 : index
    %swap3A_214 = tpu.vector_load %arg13[%swap3A_213] {strides = array<i32>} : memref<128xi32, #tpu.memory_space<vmem>>, vector<16xi32>,
    %swap3A_215 = vector.shape_cast %swap3A_214 : vector<16xi32> to vector<16xi32>
    %swap3A_216 = vector.shape_cast %scan3A_159#14 : vector<16xi32> to vector<16xi32>
    tpu.vector_store %arg13[%swap3A_213], %swap3A_216 {strides = array<i32>} : memref<128xi32, #tpu.memory_space<vmem>>, vector<16xi32>,
    %swap3A_217 = arith.constant 112 : index
    %swap3A_218 = tpu.vector_load %arg12[%swap3A_217] {strides = array<i32>} : memref<128xf32, #tpu.memory_space<vmem>>, vector<16xf32>,
    %swap3A_219 = vector.shape_cast %swap3A_218 : vector<16xf32> to vector<16xf32>
    %swap3A_220 = vector.shape_cast %scan3A_159#7 : vector<16xf32> to vector<16xf32>
    tpu.vector_store %arg12[%swap3A_217], %swap3A_220 {strides = array<i32>} : memref<128xf32, #tpu.memory_space<vmem>>, vector<16xf32>,
    %swap3A_221 = arith.constant 112 : index
    %swap3A_222 = tpu.vector_load %arg13[%swap3A_221] {strides = array<i32>} : memref<128xi32, #tpu.memory_space<vmem>>, vector<16xi32>,
    %swap3A_223 = vector.shape_cast %swap3A_222 : vector<16xi32> to vector<16xi32>
    %swap3A_224 = vector.shape_cast %scan3A_159#15 : vector<16xi32> to vector<16xi32>
    tpu.vector_store %arg13[%swap3A_221], %swap3A_224 {strides = array<i32>} : memref<128xi32, #tpu.memory_space<vmem>>, vector<16xi32>,
    "tpu.region"() ({
      %run_scoped3A = tpu.sem_alloc : memref<!tpu.dma_semaphore, #tpu.memory_space<semaphore_mem>>
      %dma_start3A = arith.constant 0 : i32
      %dma_start3A_225 = tpu.memref_slice %arg6[%add3A_113, %dma_start3A] : memref<64x128xf32, #tpu.memory_space<hbm>> -> memref<1x128xf32, #tpu.memory_space<hbm>>
      %dma_start3A_226 = tpu.memref_squeeze %dma_start3A_225 : memref<1x128xf32, #tpu.memory_space<hbm>> -> memref<128xf32, #tpu.memory_space<hbm>>
      %dma_start3A_227 = arith.constant 0 : i32
      %dma_start3A_228 = tpu.memref_slice %arg6[%add3A_113, %dma_start3A_227] : memref<64x128xf32, #tpu.memory_space<hbm>> -> memref<1x128xf32, #tpu.memory_space<hbm>>
      %dma_start3A_229 = tpu.memref_squeeze %dma_start3A_228 : memref<1x128xf32, #tpu.memory_space<hbm>> -> memref<128xf32, #tpu.memory_space<hbm>>
      tpu.enqueue_dma source(%arg12 : memref<128xf32, #tpu.memory_space<vmem>>) target(%dma_start3A_229 : memref<128xf32, #tpu.memory_space<hbm>>) target_semaphore(%run_scoped3A : memref<!tpu.dma_semaphore, #tpu.memory_space<semaphore_mem>>)
      %dma_wait3A = arith.constant 0 : i32
      %dma_wait3A_230 = tpu.memref_slice %arg6[%add3A_113, %dma_wait3A] : memref<64x128xf32, #tpu.memory_space<hbm>> -> memref<1x128xf32, #tpu.memory_space<hbm>>
      %dma_wait3A_231 = tpu.memref_squeeze %dma_wait3A_230 : memref<1x128xf32, #tpu.memory_space<hbm>> -> memref<128xf32, #tpu.memory_space<hbm>>
      %dma_wait3A_232 = arith.constant 0 : i32
      %dma_wait3A_233 = tpu.memref_slice %arg6[%add3A_113, %dma_wait3A_232] : memref<64x128xf32, #tpu.memory_space<hbm>> -> memref<1x128xf32, #tpu.memory_space<hbm>>
      %dma_wait3A_234 = tpu.memref_squeeze %dma_wait3A_233 : memref<1x128xf32, #tpu.memory_space<hbm>> -> memref<128xf32, #tpu.memory_space<hbm>>
      tpu.wait_dma2 semaphore(%run_scoped3A : memref<!tpu.dma_semaphore, #tpu.memory_space<semaphore_mem>>) src(%arg12 : memref<128xf32, #tpu.memory_space<vmem>>) dst(%dma_wait3A_234 : memref<128xf32, #tpu.memory_space<hbm>>)
      tpu.yield
    }) : () -> ()
    "tpu.region"() ({
      %run_scoped3A = tpu.sem_alloc : memref<!tpu.dma_semaphore, #tpu.memory_space<semaphore_mem>>
      %dma_start3A = arith.constant 0 : i32
      %dma_start3A_225 = tpu.memref_slice %arg7[%add3A_113, %dma_start3A] : memref<64x128xi32, #tpu.memory_space<hbm>> -> memref<1x128xi32, #tpu.memory_space<hbm>>
      %dma_start3A_226 = tpu.memref_squeeze %dma_start3A_225 : memref<1x128xi32, #tpu.memory_space<hbm>> -> memref<128xi32, #tpu.memory_space<hbm>>
      %dma_start3A_227 = arith.constant 0 : i32
      %dma_start3A_228 = tpu.memref_slice %arg7[%add3A_113, %dma_start3A_227] : memref<64x128xi32, #tpu.memory_space<hbm>> -> memref<1x128xi32, #tpu.memory_space<hbm>>
      %dma_start3A_229 = tpu.memref_squeeze %dma_start3A_228 : memref<1x128xi32, #tpu.memory_space<hbm>> -> memref<128xi32, #tpu.memory_space<hbm>>
      tpu.enqueue_dma source(%arg13 : memref<128xi32, #tpu.memory_space<vmem>>) target(%dma_start3A_229 : memref<128xi32, #tpu.memory_space<hbm>>) target_semaphore(%run_scoped3A : memref<!tpu.dma_semaphore, #tpu.memory_space<semaphore_mem>>)
      %dma_wait3A = arith.constant 0 : i32
      %dma_wait3A_230 = tpu.memref_slice %arg7[%add3A_113, %dma_wait3A] : memref<64x128xi32, #tpu.memory_space<hbm>> -> memref<1x128xi32, #tpu.memory_space<hbm>>
      %dma_wait3A_231 = tpu.memref_squeeze %dma_wait3A_230 : memref<1x128xi32, #tpu.memory_space<hbm>> -> memref<128xi32, #tpu.memory_space<hbm>>
      %dma_wait3A_232 = arith.constant 0 : i32
      %dma_wait3A_233 = tpu.memref_slice %arg7[%add3A_113, %dma_wait3A_232] : memref<64x128xi32, #tpu.memory_space<hbm>> -> memref<1x128xi32, #tpu.memory_space<hbm>>
      %dma_wait3A_234 = tpu.memref_squeeze %dma_wait3A_233 : memref<1x128xi32, #tpu.memory_space<hbm>> -> memref<128xi32, #tpu.memory_space<hbm>>
      tpu.wait_dma2 semaphore(%run_scoped3A : memref<!tpu.dma_semaphore, #tpu.memory_space<semaphore_mem>>) src(%arg13 : memref<128xi32, #tpu.memory_space<vmem>>) dst(%dma_wait3A_234 : memref<128xi32, #tpu.memory_space<hbm>>)
      tpu.yield
    }) : () -> ()
    return
  }
}

module attributes {stable_mosaic.version = 14 : i64} {
  func.func @_merge_kernel(%arg0: memref<64x128xf32, #tpu.memory_space<vmem>>, %arg1: memref<64x128xi32, #tpu.memory_space<vmem>>, %arg2: memref<64x8xi32, #tpu.memory_space<vmem>>) attributes {dimension_semantics = [], scalar_prefetch = 0 : i64, scratch_operands = 0 : i64, tpu.core_type = #tpu.core_type<tc>} {
    %get3A = arith.constant 0 : index
    %get3A_0 = arith.constant 0 : index
    %get3A_1 = vector.load %arg0[%get3A, %get3A_0] : memref<64x128xf32, #tpu.memory_space<vmem>>, vector<64x128xf32>
    %sqrt3A = math.sqrt %get3A_1 : vector<64x128xf32>
    %get3A_2 = arith.constant 0 : index
    %get3A_3 = arith.constant 0 : index
    %get3A_4 = vector.load %arg1[%get3A_2, %get3A_3] : memref<64x128xi32, #tpu.memory_space<vmem>>, vector<64x128xi32>
    %reduce_min3A = arith.constant dense<0x7F800000> : vector<64xf32>
    %reduce_min3A_5 = vector.multi_reduction <minimumf>, %sqrt3A, %reduce_min3A [1] : vector<64x128xf32> to vector<64xf32>
    %broadcast_in_dim3A = vector.shape_cast %reduce_min3A_5 : vector<64xf32> to vector<64x1xf32>
    %eq3A = vector.broadcast %broadcast_in_dim3A : vector<64x1xf32> to vector<64x128xf32>
    %eq3A_6 = arith.cmpf oeq, %sqrt3A, %eq3A : vector<64x128xf32>
    %jit3A = arith.constant 1073741824 : i32
    %broadcast_in_dim3A_7 = vector.broadcast %jit3A : i32 to vector<64x128xi32>
    %select_n3A = arith.select %eq3A_6, %get3A_4, %broadcast_in_dim3A_7 : vector<64x128xi1>, vector<64x128xi32>
    %reduce_min3A_8 = arith.constant dense<2147483647> : vector<64xi32>
    %reduce_min3A_9 = vector.multi_reduction <minsi>, %select_n3A, %reduce_min3A_8 [1] : vector<64x128xi32> to vector<64xi32>
    %broadcast_in_dim3A_10 = vector.shape_cast %reduce_min3A_9 : vector<64xi32> to vector<64x1xi32>
    %swap3A = arith.constant 0 : index
    %swap3A_11 = arith.constant 0 : index
    %swap3A_12 = vector.load %arg2[%swap3A, %swap3A_11] : memref<64x8xi32, #tpu.memory_space<vmem>>, vector<64x1xi32>
    tpu.vector_store %arg2[%swap3A, %swap3A_11], %broadcast_in_dim3A_10 {strides = array<i32>} : memref<64x8xi32, #tpu.memory_space<vmem>>, vector<64x1xi32>,
    %eq3A_13 = vector.broadcast %broadcast_in_dim3A_10 : vector<64x1xi32> to vector<64x128xi32>
    %eq3A_14 = arith.cmpi eq, %get3A_4, %eq3A_13 : vector<64x128xi32>
    %jit3A_15 = arith.constant 0x7F800000 : f32
    %broadcast_in_dim3A_16 = vector.broadcast %jit3A_15 : f32 to vector<64x128xf32>
    %select_n3A_17 = arith.select %eq3A_14, %broadcast_in_dim3A_16, %sqrt3A : vector<64x128xi1>, vector<64x128xf32>
    %reduce_min3A_18 = arith.constant dense<0x7F800000> : vector<64xf32>
    %reduce_min3A_19 = vector.multi_reduction <minimumf>, %select_n3A_17, %reduce_min3A_18 [1] : vector<64x128xf32> to vector<64xf32>
    %broadcast_in_dim3A_20 = vector.shape_cast %reduce_min3A_19 : vector<64xf32> to vector<64x1xf32>
    %eq3A_21 = vector.broadcast %broadcast_in_dim3A_20 : vector<64x1xf32> to vector<64x128xf32>
    %eq3A_22 = arith.cmpf oeq, %select_n3A_17, %eq3A_21 : vector<64x128xf32>
    %jit3A_23 = arith.constant 1073741824 : i32
    %broadcast_in_dim3A_24 = vector.broadcast %jit3A_23 : i32 to vector<64x128xi32>
    %select_n3A_25 = arith.select %eq3A_22, %get3A_4, %broadcast_in_dim3A_24 : vector<64x128xi1>, vector<64x128xi32>
    %reduce_min3A_26 = arith.constant dense<2147483647> : vector<64xi32>
    %reduce_min3A_27 = vector.multi_reduction <minsi>, %select_n3A_25, %reduce_min3A_26 [1] : vector<64x128xi32> to vector<64xi32>
    %broadcast_in_dim3A_28 = vector.shape_cast %reduce_min3A_27 : vector<64xi32> to vector<64x1xi32>
    %swap3A_29 = arith.constant 0 : index
    %swap3A_30 = arith.constant 1 : index
    %swap3A_31 = vector.load %arg2[%swap3A_29, %swap3A_30] : memref<64x8xi32, #tpu.memory_space<vmem>>, vector<64x1xi32>
    tpu.vector_store %arg2[%swap3A_29, %swap3A_30], %broadcast_in_dim3A_28 {strides = array<i32>} : memref<64x8xi32, #tpu.memory_space<vmem>>, vector<64x1xi32>,
    %eq3A_32 = vector.broadcast %broadcast_in_dim3A_28 : vector<64x1xi32> to vector<64x128xi32>
    %eq3A_33 = arith.cmpi eq, %get3A_4, %eq3A_32 : vector<64x128xi32>
    %jit3A_34 = arith.constant 0x7F800000 : f32
    %broadcast_in_dim3A_35 = vector.broadcast %jit3A_34 : f32 to vector<64x128xf32>
    %select_n3A_36 = arith.select %eq3A_33, %broadcast_in_dim3A_35, %select_n3A_17 : vector<64x128xi1>, vector<64x128xf32>
    %reduce_min3A_37 = arith.constant dense<0x7F800000> : vector<64xf32>
    %reduce_min3A_38 = vector.multi_reduction <minimumf>, %select_n3A_36, %reduce_min3A_37 [1] : vector<64x128xf32> to vector<64xf32>
    %broadcast_in_dim3A_39 = vector.shape_cast %reduce_min3A_38 : vector<64xf32> to vector<64x1xf32>
    %eq3A_40 = vector.broadcast %broadcast_in_dim3A_39 : vector<64x1xf32> to vector<64x128xf32>
    %eq3A_41 = arith.cmpf oeq, %select_n3A_36, %eq3A_40 : vector<64x128xf32>
    %jit3A_42 = arith.constant 1073741824 : i32
    %broadcast_in_dim3A_43 = vector.broadcast %jit3A_42 : i32 to vector<64x128xi32>
    %select_n3A_44 = arith.select %eq3A_41, %get3A_4, %broadcast_in_dim3A_43 : vector<64x128xi1>, vector<64x128xi32>
    %reduce_min3A_45 = arith.constant dense<2147483647> : vector<64xi32>
    %reduce_min3A_46 = vector.multi_reduction <minsi>, %select_n3A_44, %reduce_min3A_45 [1] : vector<64x128xi32> to vector<64xi32>
    %broadcast_in_dim3A_47 = vector.shape_cast %reduce_min3A_46 : vector<64xi32> to vector<64x1xi32>
    %swap3A_48 = arith.constant 0 : index
    %swap3A_49 = arith.constant 2 : index
    %swap3A_50 = vector.load %arg2[%swap3A_48, %swap3A_49] : memref<64x8xi32, #tpu.memory_space<vmem>>, vector<64x1xi32>
    tpu.vector_store %arg2[%swap3A_48, %swap3A_49], %broadcast_in_dim3A_47 {strides = array<i32>} : memref<64x8xi32, #tpu.memory_space<vmem>>, vector<64x1xi32>,
    %eq3A_51 = vector.broadcast %broadcast_in_dim3A_47 : vector<64x1xi32> to vector<64x128xi32>
    %eq3A_52 = arith.cmpi eq, %get3A_4, %eq3A_51 : vector<64x128xi32>
    %jit3A_53 = arith.constant 0x7F800000 : f32
    %broadcast_in_dim3A_54 = vector.broadcast %jit3A_53 : f32 to vector<64x128xf32>
    %select_n3A_55 = arith.select %eq3A_52, %broadcast_in_dim3A_54, %select_n3A_36 : vector<64x128xi1>, vector<64x128xf32>
    %reduce_min3A_56 = arith.constant dense<0x7F800000> : vector<64xf32>
    %reduce_min3A_57 = vector.multi_reduction <minimumf>, %select_n3A_55, %reduce_min3A_56 [1] : vector<64x128xf32> to vector<64xf32>
    %broadcast_in_dim3A_58 = vector.shape_cast %reduce_min3A_57 : vector<64xf32> to vector<64x1xf32>
    %eq3A_59 = vector.broadcast %broadcast_in_dim3A_58 : vector<64x1xf32> to vector<64x128xf32>
    %eq3A_60 = arith.cmpf oeq, %select_n3A_55, %eq3A_59 : vector<64x128xf32>
    %jit3A_61 = arith.constant 1073741824 : i32
    %broadcast_in_dim3A_62 = vector.broadcast %jit3A_61 : i32 to vector<64x128xi32>
    %select_n3A_63 = arith.select %eq3A_60, %get3A_4, %broadcast_in_dim3A_62 : vector<64x128xi1>, vector<64x128xi32>
    %reduce_min3A_64 = arith.constant dense<2147483647> : vector<64xi32>
    %reduce_min3A_65 = vector.multi_reduction <minsi>, %select_n3A_63, %reduce_min3A_64 [1] : vector<64x128xi32> to vector<64xi32>
    %broadcast_in_dim3A_66 = vector.shape_cast %reduce_min3A_65 : vector<64xi32> to vector<64x1xi32>
    %swap3A_67 = arith.constant 0 : index
    %swap3A_68 = arith.constant 3 : index
    %swap3A_69 = vector.load %arg2[%swap3A_67, %swap3A_68] : memref<64x8xi32, #tpu.memory_space<vmem>>, vector<64x1xi32>
    tpu.vector_store %arg2[%swap3A_67, %swap3A_68], %broadcast_in_dim3A_66 {strides = array<i32>} : memref<64x8xi32, #tpu.memory_space<vmem>>, vector<64x1xi32>,
    %eq3A_70 = vector.broadcast %broadcast_in_dim3A_66 : vector<64x1xi32> to vector<64x128xi32>
    %eq3A_71 = arith.cmpi eq, %get3A_4, %eq3A_70 : vector<64x128xi32>
    %jit3A_72 = arith.constant 0x7F800000 : f32
    %broadcast_in_dim3A_73 = vector.broadcast %jit3A_72 : f32 to vector<64x128xf32>
    %select_n3A_74 = arith.select %eq3A_71, %broadcast_in_dim3A_73, %select_n3A_55 : vector<64x128xi1>, vector<64x128xf32>
    %reduce_min3A_75 = arith.constant dense<0x7F800000> : vector<64xf32>
    %reduce_min3A_76 = vector.multi_reduction <minimumf>, %select_n3A_74, %reduce_min3A_75 [1] : vector<64x128xf32> to vector<64xf32>
    %broadcast_in_dim3A_77 = vector.shape_cast %reduce_min3A_76 : vector<64xf32> to vector<64x1xf32>
    %eq3A_78 = vector.broadcast %broadcast_in_dim3A_77 : vector<64x1xf32> to vector<64x128xf32>
    %eq3A_79 = arith.cmpf oeq, %select_n3A_74, %eq3A_78 : vector<64x128xf32>
    %jit3A_80 = arith.constant 1073741824 : i32
    %broadcast_in_dim3A_81 = vector.broadcast %jit3A_80 : i32 to vector<64x128xi32>
    %select_n3A_82 = arith.select %eq3A_79, %get3A_4, %broadcast_in_dim3A_81 : vector<64x128xi1>, vector<64x128xi32>
    %reduce_min3A_83 = arith.constant dense<2147483647> : vector<64xi32>
    %reduce_min3A_84 = vector.multi_reduction <minsi>, %select_n3A_82, %reduce_min3A_83 [1] : vector<64x128xi32> to vector<64xi32>
    %broadcast_in_dim3A_85 = vector.shape_cast %reduce_min3A_84 : vector<64xi32> to vector<64x1xi32>
    %swap3A_86 = arith.constant 0 : index
    %swap3A_87 = arith.constant 4 : index
    %swap3A_88 = vector.load %arg2[%swap3A_86, %swap3A_87] : memref<64x8xi32, #tpu.memory_space<vmem>>, vector<64x1xi32>
    tpu.vector_store %arg2[%swap3A_86, %swap3A_87], %broadcast_in_dim3A_85 {strides = array<i32>} : memref<64x8xi32, #tpu.memory_space<vmem>>, vector<64x1xi32>,
    %eq3A_89 = vector.broadcast %broadcast_in_dim3A_85 : vector<64x1xi32> to vector<64x128xi32>
    %eq3A_90 = arith.cmpi eq, %get3A_4, %eq3A_89 : vector<64x128xi32>
    %jit3A_91 = arith.constant 0x7F800000 : f32
    %broadcast_in_dim3A_92 = vector.broadcast %jit3A_91 : f32 to vector<64x128xf32>
    %select_n3A_93 = arith.select %eq3A_90, %broadcast_in_dim3A_92, %select_n3A_74 : vector<64x128xi1>, vector<64x128xf32>
    %reduce_min3A_94 = arith.constant dense<0x7F800000> : vector<64xf32>
    %reduce_min3A_95 = vector.multi_reduction <minimumf>, %select_n3A_93, %reduce_min3A_94 [1] : vector<64x128xf32> to vector<64xf32>
    %broadcast_in_dim3A_96 = vector.shape_cast %reduce_min3A_95 : vector<64xf32> to vector<64x1xf32>
    %eq3A_97 = vector.broadcast %broadcast_in_dim3A_96 : vector<64x1xf32> to vector<64x128xf32>
    %eq3A_98 = arith.cmpf oeq, %select_n3A_93, %eq3A_97 : vector<64x128xf32>
    %jit3A_99 = arith.constant 1073741824 : i32
    %broadcast_in_dim3A_100 = vector.broadcast %jit3A_99 : i32 to vector<64x128xi32>
    %select_n3A_101 = arith.select %eq3A_98, %get3A_4, %broadcast_in_dim3A_100 : vector<64x128xi1>, vector<64x128xi32>
    %reduce_min3A_102 = arith.constant dense<2147483647> : vector<64xi32>
    %reduce_min3A_103 = vector.multi_reduction <minsi>, %select_n3A_101, %reduce_min3A_102 [1] : vector<64x128xi32> to vector<64xi32>
    %broadcast_in_dim3A_104 = vector.shape_cast %reduce_min3A_103 : vector<64xi32> to vector<64x1xi32>
    %swap3A_105 = arith.constant 0 : index
    %swap3A_106 = arith.constant 5 : index
    %swap3A_107 = vector.load %arg2[%swap3A_105, %swap3A_106] : memref<64x8xi32, #tpu.memory_space<vmem>>, vector<64x1xi32>
    tpu.vector_store %arg2[%swap3A_105, %swap3A_106], %broadcast_in_dim3A_104 {strides = array<i32>} : memref<64x8xi32, #tpu.memory_space<vmem>>, vector<64x1xi32>,
    %eq3A_108 = vector.broadcast %broadcast_in_dim3A_104 : vector<64x1xi32> to vector<64x128xi32>
    %eq3A_109 = arith.cmpi eq, %get3A_4, %eq3A_108 : vector<64x128xi32>
    %jit3A_110 = arith.constant 0x7F800000 : f32
    %broadcast_in_dim3A_111 = vector.broadcast %jit3A_110 : f32 to vector<64x128xf32>
    %select_n3A_112 = arith.select %eq3A_109, %broadcast_in_dim3A_111, %select_n3A_93 : vector<64x128xi1>, vector<64x128xf32>
    %reduce_min3A_113 = arith.constant dense<0x7F800000> : vector<64xf32>
    %reduce_min3A_114 = vector.multi_reduction <minimumf>, %select_n3A_112, %reduce_min3A_113 [1] : vector<64x128xf32> to vector<64xf32>
    %broadcast_in_dim3A_115 = vector.shape_cast %reduce_min3A_114 : vector<64xf32> to vector<64x1xf32>
    %eq3A_116 = vector.broadcast %broadcast_in_dim3A_115 : vector<64x1xf32> to vector<64x128xf32>
    %eq3A_117 = arith.cmpf oeq, %select_n3A_112, %eq3A_116 : vector<64x128xf32>
    %jit3A_118 = arith.constant 1073741824 : i32
    %broadcast_in_dim3A_119 = vector.broadcast %jit3A_118 : i32 to vector<64x128xi32>
    %select_n3A_120 = arith.select %eq3A_117, %get3A_4, %broadcast_in_dim3A_119 : vector<64x128xi1>, vector<64x128xi32>
    %reduce_min3A_121 = arith.constant dense<2147483647> : vector<64xi32>
    %reduce_min3A_122 = vector.multi_reduction <minsi>, %select_n3A_120, %reduce_min3A_121 [1] : vector<64x128xi32> to vector<64xi32>
    %broadcast_in_dim3A_123 = vector.shape_cast %reduce_min3A_122 : vector<64xi32> to vector<64x1xi32>
    %swap3A_124 = arith.constant 0 : index
    %swap3A_125 = arith.constant 6 : index
    %swap3A_126 = vector.load %arg2[%swap3A_124, %swap3A_125] : memref<64x8xi32, #tpu.memory_space<vmem>>, vector<64x1xi32>
    tpu.vector_store %arg2[%swap3A_124, %swap3A_125], %broadcast_in_dim3A_123 {strides = array<i32>} : memref<64x8xi32, #tpu.memory_space<vmem>>, vector<64x1xi32>,
    %eq3A_127 = vector.broadcast %broadcast_in_dim3A_123 : vector<64x1xi32> to vector<64x128xi32>
    %eq3A_128 = arith.cmpi eq, %get3A_4, %eq3A_127 : vector<64x128xi32>
    %jit3A_129 = arith.constant 0x7F800000 : f32
    %broadcast_in_dim3A_130 = vector.broadcast %jit3A_129 : f32 to vector<64x128xf32>
    %select_n3A_131 = arith.select %eq3A_128, %broadcast_in_dim3A_130, %select_n3A_112 : vector<64x128xi1>, vector<64x128xf32>
    %reduce_min3A_132 = arith.constant dense<0x7F800000> : vector<64xf32>
    %reduce_min3A_133 = vector.multi_reduction <minimumf>, %select_n3A_131, %reduce_min3A_132 [1] : vector<64x128xf32> to vector<64xf32>
    %broadcast_in_dim3A_134 = vector.shape_cast %reduce_min3A_133 : vector<64xf32> to vector<64x1xf32>
    %eq3A_135 = vector.broadcast %broadcast_in_dim3A_134 : vector<64x1xf32> to vector<64x128xf32>
    %eq3A_136 = arith.cmpf oeq, %select_n3A_131, %eq3A_135 : vector<64x128xf32>
    %jit3A_137 = arith.constant 1073741824 : i32
    %broadcast_in_dim3A_138 = vector.broadcast %jit3A_137 : i32 to vector<64x128xi32>
    %select_n3A_139 = arith.select %eq3A_136, %get3A_4, %broadcast_in_dim3A_138 : vector<64x128xi1>, vector<64x128xi32>
    %reduce_min3A_140 = arith.constant dense<2147483647> : vector<64xi32>
    %reduce_min3A_141 = vector.multi_reduction <minsi>, %select_n3A_139, %reduce_min3A_140 [1] : vector<64x128xi32> to vector<64xi32>
    %broadcast_in_dim3A_142 = vector.shape_cast %reduce_min3A_141 : vector<64xi32> to vector<64x1xi32>
    %swap3A_143 = arith.constant 0 : index
    %swap3A_144 = arith.constant 7 : index
    %swap3A_145 = vector.load %arg2[%swap3A_143, %swap3A_144] : memref<64x8xi32, #tpu.memory_space<vmem>>, vector<64x1xi32>
    tpu.vector_store %arg2[%swap3A_143, %swap3A_144], %broadcast_in_dim3A_142 {strides = array<i32>} : memref<64x8xi32, #tpu.memory_space<vmem>>, vector<64x1xi32>,
    return
  }
}

module attributes {stable_mosaic.version = 14 : i64} {
  func.func @_main_kernel(%arg0: i32, %arg1: memref<512xi32, #tpu.memory_space<smem>>, %arg2: memref<1x256x128xf32, #tpu.memory_space<vmem>>, %arg3: memref<1x256x128xf32, #tpu.memory_space<vmem>>, %arg4: memref<1x256x128xf32, #tpu.memory_space<vmem>>, %arg5: memref<1x256x128xf32, #tpu.memory_space<vmem>>, %arg6: memref<1x256x128xf32, #tpu.memory_space<vmem>>, %arg7: memref<1x256x128xf32, #tpu.memory_space<vmem>>, %arg8: memref<1x256x128xf32, #tpu.memory_space<vmem>>, %arg9: memref<1x256x128xf32, #tpu.memory_space<vmem>>, %arg10: memref<1x256x128xf32, #tpu.memory_space<vmem>>, %arg11: memref<1x256x128xf32, #tpu.memory_space<vmem>>, %arg12: memref<1x256x128xf32, #tpu.memory_space<vmem>>, %arg13: memref<1x256x128xf32, #tpu.memory_space<vmem>>, %arg14: memref<1x256x128xf32, #tpu.memory_space<vmem>>, %arg15: memref<1x256x128xf32, #tpu.memory_space<vmem>>, %arg16: memref<1x256x128xf32, #tpu.memory_space<vmem>>, %arg17: memref<1x256x128xf32, #tpu.memory_space<vmem>>, %arg18: memref<136x768xbf16, #tpu.memory_space<vmem>>, %arg19: memref<136x768xbf16, #tpu.memory_space<vmem>>, %arg20: memref<136x2048xf32, #tpu.memory_space<vmem>>, %arg21: memref<136x2048xf32, #tpu.memory_space<vmem>>, %arg22: memref<384x128xbf16, #tpu.memory_space<vmem>>, %arg23: memref<384x128xbf16, #tpu.memory_space<vmem>>, %arg24: memref<128x128xf32, #tpu.memory_space<vmem>>, %arg25: memref<136x127xf32, #tpu.memory_space<vmem>>, %arg26: memref<1x128x256xf32, #tpu.memory_space<vmem>>, %arg27: memref<1x128x256xf32, #tpu.memory_space<vmem>>) attributes {dimension_semantics = [#tpu.dimension_semantics<arbitrary>], iteration_bounds = array<i64: 32>, scalar_prefetch = 1 : i64, scratch_operands = 0 : i64, tpu.core_type = #tpu.core_type<tc>, window_params = [{transform_indices = @transform_0, window_bounds = array<i64: 1, 256, 128>}, {transform_indices = @transform_1, window_bounds = array<i64: 1, 256, 128>}, {transform_indices = @transform_2, window_bounds = array<i64: 1, 256, 128>}, {transform_indices = @transform_3, window_bounds = array<i64: 1, 256, 128>}, {transform_indices = @transform_4, window_bounds = array<i64: 1, 256, 128>}, {transform_indices = @transform_5, window_bounds = array<i64: 1, 256, 128>}, {transform_indices = @transform_6, window_bounds = array<i64: 1, 256, 128>}, {transform_indices = @transform_7, window_bounds = array<i64: 1, 256, 128>}, {transform_indices = @transform_8, window_bounds = array<i64: 1, 256, 128>}, {transform_indices = @transform_9, window_bounds = array<i64: 1, 256, 128>}, {transform_indices = @transform_10, window_bounds = array<i64: 1, 256, 128>}, {transform_indices = @transform_11, window_bounds = array<i64: 1, 256, 128>}, {transform_indices = @transform_12, window_bounds = array<i64: 1, 256, 128>}, {transform_indices = @transform_13, window_bounds = array<i64: 1, 256, 128>}, {transform_indices = @transform_14, window_bounds = array<i64: 1, 256, 128>}, {transform_indices = @transform_15, window_bounds = array<i64: 1, 256, 128>}, {pipeline_mode = #tpu.pipeline_mode<synchronous>, transform_indices = @transform_16, window_bounds = array<i64: 136, 768>}, {pipeline_mode = #tpu.pipeline_mode<synchronous>, transform_indices = @transform_17, window_bounds = array<i64: 136, 768>}, {pipeline_mode = #tpu.pipeline_mode<synchronous>, transform_indices = @transform_18, window_bounds = array<i64: 136, 2048>}, {pipeline_mode = #tpu.pipeline_mode<synchronous>, transform_indices = @transform_19, window_bounds = array<i64: 136, 2048>}, {pipeline_mode = #tpu.pipeline_mode<synchronous>, transform_indices = @transform_20, window_bounds = array<i64: 384, 128>}, {pipeline_mode = #tpu.pipeline_mode<synchronous>, transform_indices = @transform_21, window_bounds = array<i64: 384, 128>}, {pipeline_mode = #tpu.pipeline_mode<synchronous>, transform_indices = @transform_22, window_bounds = array<i64: 128, 128>}, {pipeline_mode = #tpu.pipeline_mode<synchronous>, transform_indices = @transform_23, window_bounds = array<i64: 136, 127>}, {transform_indices = @transform_24, window_bounds = array<i64: 1, 128, 256>}, {transform_indices = @transform_25, window_bounds = array<i64: 1, 128, 256>}]} {
    %get3A = arith.constant 0 : index
    %get3A_0 = arith.constant 0 : index
    %get3A_1 = arith.constant 0 : index
    %get3A_2 = vector.load %arg2[%get3A, %get3A_0, %get3A_1] : memref<1x256x128xf32, #tpu.memory_space<vmem>>, vector<1x256x128xf32>
    %get3A_3 = vector.shape_cast %get3A_2 : vector<1x256x128xf32> to vector<256x128xf32>
    %get3A_4 = arith.constant 0 : index
    %get3A_5 = arith.constant 0 : index
    %get3A_6 = arith.constant 0 : index
    %get3A_7 = vector.load %arg3[%get3A_4, %get3A_5, %get3A_6] : memref<1x256x128xf32, #tpu.memory_space<vmem>>, vector<1x256x128xf32>
    %get3A_8 = vector.shape_cast %get3A_7 : vector<1x256x128xf32> to vector<256x128xf32>
    %get3A_9 = arith.constant 0 : index
    %get3A_10 = arith.constant 0 : index
    %get3A_11 = arith.constant 0 : index
    %get3A_12 = vector.load %arg4[%get3A_9, %get3A_10, %get3A_11] : memref<1x256x128xf32, #tpu.memory_space<vmem>>, vector<1x256x128xf32>
    %get3A_13 = vector.shape_cast %get3A_12 : vector<1x256x128xf32> to vector<256x128xf32>
    %get3A_14 = arith.constant 0 : index
    %get3A_15 = arith.constant 0 : index
    %get3A_16 = arith.constant 0 : index
    %get3A_17 = vector.load %arg5[%get3A_14, %get3A_15, %get3A_16] : memref<1x256x128xf32, #tpu.memory_space<vmem>>, vector<1x256x128xf32>
    %get3A_18 = vector.shape_cast %get3A_17 : vector<1x256x128xf32> to vector<256x128xf32>
    %get3A_19 = arith.constant 0 : index
    %get3A_20 = arith.constant 0 : index
    %get3A_21 = arith.constant 0 : index
    %get3A_22 = vector.load %arg6[%get3A_19, %get3A_20, %get3A_21] : memref<1x256x128xf32, #tpu.memory_space<vmem>>, vector<1x256x128xf32>
    %get3A_23 = vector.shape_cast %get3A_22 : vector<1x256x128xf32> to vector<256x128xf32>
    %get3A_24 = arith.constant 0 : index
    %get3A_25 = arith.constant 0 : index
    %get3A_26 = arith.constant 0 : index
    %get3A_27 = vector.load %arg7[%get3A_24, %get3A_25, %get3A_26] : memref<1x256x128xf32, #tpu.memory_space<vmem>>, vector<1x256x128xf32>
    %get3A_28 = vector.shape_cast %get3A_27 : vector<1x256x128xf32> to vector<256x128xf32>
    %get3A_29 = arith.constant 0 : index
    %get3A_30 = arith.constant 0 : index
    %get3A_31 = arith.constant 0 : index
    %get3A_32 = vector.load %arg8[%get3A_29, %get3A_30, %get3A_31] : memref<1x256x128xf32, #tpu.memory_space<vmem>>, vector<1x256x128xf32>
    %get3A_33 = vector.shape_cast %get3A_32 : vector<1x256x128xf32> to vector<256x128xf32>
    %get3A_34 = arith.constant 0 : index
    %get3A_35 = arith.constant 0 : index
    %get3A_36 = arith.constant 0 : index
    %get3A_37 = vector.load %arg9[%get3A_34, %get3A_35, %get3A_36] : memref<1x256x128xf32, #tpu.memory_space<vmem>>, vector<1x256x128xf32>
    %get3A_38 = vector.shape_cast %get3A_37 : vector<1x256x128xf32> to vector<256x128xf32>
    %get3A_39 = arith.constant 0 : index
    %get3A_40 = arith.constant 0 : index
    %get3A_41 = arith.constant 0 : index
    %get3A_42 = vector.load %arg10[%get3A_39, %get3A_40, %get3A_41] : memref<1x256x128xf32, #tpu.memory_space<vmem>>, vector<1x256x128xf32>
    %get3A_43 = vector.shape_cast %get3A_42 : vector<1x256x128xf32> to vector<256x128xf32>
    %get3A_44 = arith.constant 0 : index
    %get3A_45 = arith.constant 0 : index
    %get3A_46 = arith.constant 0 : index
    %get3A_47 = vector.load %arg11[%get3A_44, %get3A_45, %get3A_46] : memref<1x256x128xf32, #tpu.memory_space<vmem>>, vector<1x256x128xf32>
    %get3A_48 = vector.shape_cast %get3A_47 : vector<1x256x128xf32> to vector<256x128xf32>
    %get3A_49 = arith.constant 0 : index
    %get3A_50 = arith.constant 0 : index
    %get3A_51 = arith.constant 0 : index
    %get3A_52 = vector.load %arg12[%get3A_49, %get3A_50, %get3A_51] : memref<1x256x128xf32, #tpu.memory_space<vmem>>, vector<1x256x128xf32>
    %get3A_53 = vector.shape_cast %get3A_52 : vector<1x256x128xf32> to vector<256x128xf32>
    %get3A_54 = arith.constant 0 : index
    %get3A_55 = arith.constant 0 : index
    %get3A_56 = arith.constant 0 : index
    %get3A_57 = vector.load %arg13[%get3A_54, %get3A_55, %get3A_56] : memref<1x256x128xf32, #tpu.memory_space<vmem>>, vector<1x256x128xf32>
    %get3A_58 = vector.shape_cast %get3A_57 : vector<1x256x128xf32> to vector<256x128xf32>
    %get3A_59 = arith.constant 0 : index
    %get3A_60 = arith.constant 0 : index
    %get3A_61 = arith.constant 0 : index
    %get3A_62 = vector.load %arg14[%get3A_59, %get3A_60, %get3A_61] : memref<1x256x128xf32, #tpu.memory_space<vmem>>, vector<1x256x128xf32>
    %get3A_63 = vector.shape_cast %get3A_62 : vector<1x256x128xf32> to vector<256x128xf32>
    %get3A_64 = arith.constant 0 : index
    %get3A_65 = arith.constant 0 : index
    %get3A_66 = arith.constant 0 : index
    %get3A_67 = vector.load %arg15[%get3A_64, %get3A_65, %get3A_66] : memref<1x256x128xf32, #tpu.memory_space<vmem>>, vector<1x256x128xf32>
    %get3A_68 = vector.shape_cast %get3A_67 : vector<1x256x128xf32> to vector<256x128xf32>
    %get3A_69 = arith.constant 0 : index
    %get3A_70 = arith.constant 0 : index
    %get3A_71 = arith.constant 0 : index
    %get3A_72 = vector.load %arg16[%get3A_69, %get3A_70, %get3A_71] : memref<1x256x128xf32, #tpu.memory_space<vmem>>, vector<1x256x128xf32>
    %get3A_73 = vector.shape_cast %get3A_72 : vector<1x256x128xf32> to vector<256x128xf32>
    %get3A_74 = arith.constant 0 : index
    %get3A_75 = arith.constant 0 : index
    %get3A_76 = arith.constant 0 : index
    %get3A_77 = vector.load %arg17[%get3A_74, %get3A_75, %get3A_76] : memref<1x256x128xf32, #tpu.memory_space<vmem>>, vector<1x256x128xf32>
    %get3A_78 = vector.shape_cast %get3A_77 : vector<1x256x128xf32> to vector<256x128xf32>
    %concatenate3A = tpu.concatenate %get3A_3, %get3A_8, %get3A_13, %get3A_18, %get3A_23, %get3A_28, %get3A_33, %get3A_38, %get3A_43, %get3A_48, %get3A_53, %get3A_58, %get3A_63, %get3A_68, %get3A_73, %get3A_78 in 1 : vector<256x128xf32>, vector<256x128xf32>, vector<256x128xf32>, vector<256x128xf32>, vector<256x128xf32>, vector<256x128xf32>, vector<256x128xf32>, vector<256x128xf32>, vector<256x128xf32>, vector<256x128xf32>, vector<256x128xf32>, vector<256x128xf32>, vector<256x128xf32>, vector<256x128xf32>, vector<256x128xf32>, vector<256x128xf32> -> vector<256x2048xf32>
    %convert_element_type3A = arith.truncf %concatenate3A : vector<256x2048xf32> to vector<256x2048xbf16>
    %convert_element_type3A_79 = arith.extf %convert_element_type3A : vector<256x2048xbf16> to vector<256x2048xf32>
    %sub3A = arith.subf %concatenate3A, %convert_element_type3A_79 : vector<256x2048xf32>
    %convert_element_type3A_80 = arith.truncf %sub3A : vector<256x2048xf32> to vector<256x2048xbf16>
    %concatenate3A_81 = tpu.concatenate %convert_element_type3A, %convert_element_type3A_80, %convert_element_type3A in 0 : vector<256x2048xbf16>, vector<256x2048xbf16>, vector<256x2048xbf16> -> vector<768x2048xbf16>
    %get3A_82 = arith.constant 0 : index
    %get3A_83 = arith.constant 0 : index
    %get3A_84 = vector.load %arg18[%get3A_82, %get3A_83] : memref<136x768xbf16, #tpu.memory_space<vmem>>, vector<136x768xbf16>
    %dot_general3A = arith.constant dense<0.000000e+00> : vector<136x2048xf32>
    %dot_general3A_85 = tpu.matmul %get3A_84, %concatenate3A_81, %dot_general3A {dimension_numbers = #tpu.dot_dimension_numbers<[1], [0], [0], [1], [0, 0, 1, 1], [], []>, transpose_lhs_hint = false} : vector<136x768xbf16>, vector<768x2048xbf16>, vector<136x2048xf32> -> vector<136x2048xf32>
    %get3A_86 = arith.constant 0 : index
    %get3A_87 = arith.constant 0 : index
    %get3A_88 = vector.load %arg19[%get3A_86, %get3A_87] : memref<136x768xbf16, #tpu.memory_space<vmem>>, vector<136x768xbf16>
    %dot_general3A_89 = arith.constant dense<0.000000e+00> : vector<136x2048xf32>
    %dot_general3A_90 = tpu.matmul %get3A_88, %concatenate3A_81, %dot_general3A_89 {dimension_numbers = #tpu.dot_dimension_numbers<[1], [0], [0], [1], [0, 0, 1, 1], [], []>, transpose_lhs_hint = false} : vector<136x768xbf16>, vector<768x2048xbf16>, vector<136x2048xf32> -> vector<136x2048xf32>
    %get3A_91 = arith.constant 0 : index
    %get3A_92 = arith.constant 0 : index
    %get3A_93 = vector.load %arg20[%get3A_91, %get3A_92] : memref<136x2048xf32, #tpu.memory_space<vmem>>, vector<136x2048xf32>
    %mul3A = arith.mulf %dot_general3A_85, %get3A_93 : vector<136x2048xf32>
    %get3A_94 = arith.constant 0 : index
    %get3A_95 = arith.constant 0 : index
    %get3A_96 = vector.load %arg21[%get3A_94, %get3A_95] : memref<136x2048xf32, #tpu.memory_space<vmem>>, vector<136x2048xf32>
    %mul3A_97 = arith.mulf %dot_general3A_90, %get3A_96 : vector<136x2048xf32>
    %sub3A_98 = arith.subf %mul3A, %mul3A_97 : vector<136x2048xf32>
    %get3A_99 = arith.constant 0 : index
    %get3A_100 = arith.constant 0 : index
    %get3A_101 = vector.load %arg21[%get3A_99, %get3A_100] : memref<136x2048xf32, #tpu.memory_space<vmem>>, vector<136x2048xf32>
    %mul3A_102 = arith.mulf %dot_general3A_85, %get3A_101 : vector<136x2048xf32>
    %get3A_103 = arith.constant 0 : index
    %get3A_104 = arith.constant 0 : index
    %get3A_105 = vector.load %arg20[%get3A_103, %get3A_104] : memref<136x2048xf32, #tpu.memory_space<vmem>>, vector<136x2048xf32>
    %mul3A_106 = arith.mulf %dot_general3A_90, %get3A_105 : vector<136x2048xf32>
    %add3A = arith.addf %mul3A_102, %mul3A_106 : vector<136x2048xf32>
    %reshape3A = vector.shape_cast %sub3A_98 : vector<136x2048xf32> to vector<2176x128xf32>
    %reshape3A_107 = vector.shape_cast %add3A : vector<136x2048xf32> to vector<2176x128xf32>
    %convert_element_type3A_108 = arith.truncf %reshape3A : vector<2176x128xf32> to vector<2176x128xbf16>
    %convert_element_type3A_109 = arith.extf %convert_element_type3A_108 : vector<2176x128xbf16> to vector<2176x128xf32>
    %sub3A_110 = arith.subf %reshape3A, %convert_element_type3A_109 : vector<2176x128xf32>
    %convert_element_type3A_111 = arith.truncf %sub3A_110 : vector<2176x128xf32> to vector<2176x128xbf16>
    %convert_element_type3A_112 = arith.truncf %reshape3A_107 : vector<2176x128xf32> to vector<2176x128xbf16>
    %convert_element_type3A_113 = arith.extf %convert_element_type3A_112 : vector<2176x128xbf16> to vector<2176x128xf32>
    %sub3A_114 = arith.subf %reshape3A_107, %convert_element_type3A_113 : vector<2176x128xf32>
    %convert_element_type3A_115 = arith.truncf %sub3A_114 : vector<2176x128xf32> to vector<2176x128xbf16>
    %concatenate3A_116 = tpu.concatenate %convert_element_type3A_108, %convert_element_type3A_108, %convert_element_type3A_111 in 1 : vector<2176x128xbf16>, vector<2176x128xbf16>, vector<2176x128xbf16> -> vector<2176x384xbf16>
    %concatenate3A_117 = tpu.concatenate %convert_element_type3A_112, %convert_element_type3A_112, %convert_element_type3A_115 in 1 : vector<2176x128xbf16>, vector<2176x128xbf16>, vector<2176x128xbf16> -> vector<2176x384xbf16>
    %get3A_118 = arith.constant 0 : index
    %get3A_119 = arith.constant 0 : index
    %get3A_120 = vector.load %arg22[%get3A_118, %get3A_119] : memref<384x128xbf16, #tpu.memory_space<vmem>>, vector<384x128xbf16>
    %dot_general3A_121 = arith.constant dense<0.000000e+00> : vector<2176x128xf32>
    %dot_general3A_122 = tpu.matmul %concatenate3A_116, %get3A_120, %dot_general3A_121 {dimension_numbers = #tpu.dot_dimension_numbers<[1], [0], [0], [1], [0, 0, 1, 1], [], []>, transpose_lhs_hint = false} : vector<2176x384xbf16>, vector<384x128xbf16>, vector<2176x128xf32> -> vector<2176x128xf32>
    %get3A_123 = arith.constant 0 : index
    %get3A_124 = arith.constant 0 : index
    %get3A_125 = vector.load %arg23[%get3A_123, %get3A_124] : memref<384x128xbf16, #tpu.memory_space<vmem>>, vector<384x128xbf16>
    %dot_general3A_126 = arith.constant dense<0.000000e+00> : vector<2176x128xf32>
    %dot_general3A_127 = tpu.matmul %concatenate3A_117, %get3A_125, %dot_general3A_126 {dimension_numbers = #tpu.dot_dimension_numbers<[1], [0], [0], [1], [0, 0, 1, 1], [], []>, transpose_lhs_hint = false} : vector<2176x384xbf16>, vector<384x128xbf16>, vector<2176x128xf32> -> vector<2176x128xf32>
    %sub3A_128 = arith.subf %dot_general3A_122, %dot_general3A_127 : vector<2176x128xf32>
    %get3A_129 = arith.constant 0 : index
    %get3A_130 = arith.constant 0 : index
    %get3A_131 = vector.load %arg23[%get3A_129, %get3A_130] : memref<384x128xbf16, #tpu.memory_space<vmem>>, vector<384x128xbf16>
    %dot_general3A_132 = arith.constant dense<0.000000e+00> : vector<2176x128xf32>
    %dot_general3A_133 = tpu.matmul %concatenate3A_116, %get3A_131, %dot_general3A_132 {dimension_numbers = #tpu.dot_dimension_numbers<[1], [0], [0], [1], [0, 0, 1, 1], [], []>, transpose_lhs_hint = false} : vector<2176x384xbf16>, vector<384x128xbf16>, vector<2176x128xf32> -> vector<2176x128xf32>
    %get3A_134 = arith.constant 0 : index
    %get3A_135 = arith.constant 0 : index
    %get3A_136 = vector.load %arg22[%get3A_134, %get3A_135] : memref<384x128xbf16, #tpu.memory_space<vmem>>, vector<384x128xbf16>
    %dot_general3A_137 = arith.constant dense<0.000000e+00> : vector<2176x128xf32>
    %dot_general3A_138 = tpu.matmul %concatenate3A_117, %get3A_136, %dot_general3A_137 {dimension_numbers = #tpu.dot_dimension_numbers<[1], [0], [0], [1], [0, 0, 1, 1], [], []>, transpose_lhs_hint = false} : vector<2176x384xbf16>, vector<384x128xbf16>, vector<2176x128xf32> -> vector<2176x128xf32>
    %add3A_139 = arith.addf %dot_general3A_133, %dot_general3A_138 : vector<2176x128xf32>
    %reshape3A_140 = vector.shape_cast %sub3A_128 : vector<2176x128xf32> to vector<136x16x128xf32>
    %reshape3A_141 = vector.shape_cast %add3A_139 : vector<2176x128xf32> to vector<136x16x128xf32>
    %slice3A = vector.extract_strided_slice %reshape3A_140 {offsets = [0, 0, 0], sizes = [136, 8, 128], strides = [1, 1, 1]} : vector<136x16x128xf32> to vector<136x8x128xf32>
    %slice3A_142 = vector.extract_strided_slice %reshape3A_141 {offsets = [0, 0, 0], sizes = [136, 8, 128], strides = [1, 1, 1]} : vector<136x16x128xf32> to vector<136x8x128xf32>
    %slice3A_143 = vector.extract_strided_slice %reshape3A_140 {offsets = [0, 8, 0], sizes = [136, 8, 128], strides = [1, 1, 1]} : vector<136x16x128xf32> to vector<136x8x128xf32>
    %slice3A_144 = vector.extract_strided_slice %reshape3A_141 {offsets = [0, 8, 0], sizes = [136, 8, 128], strides = [1, 1, 1]} : vector<136x16x128xf32> to vector<136x8x128xf32>
    %mul3A_145 = arith.mulf %slice3A, %slice3A : vector<136x8x128xf32>
    %mul3A_146 = arith.mulf %slice3A_142, %slice3A_142 : vector<136x8x128xf32>
    %add3A_147 = arith.addf %mul3A_145, %mul3A_146 : vector<136x8x128xf32>
    %div3A = arith.constant 1.000000e+00 : f32
    %div3A_148 = vector.broadcast %div3A : f32 to vector<136x8x128xf32>
    %div3A_149 = arith.divf %div3A_148, %add3A_147 : vector<136x8x128xf32>
    %broadcast_in_dim3A = arith.constant 0.000000e+00 : f32
    %broadcast_in_dim3A_150 = vector.broadcast %broadcast_in_dim3A : f32 to vector<136x8x128xf32>
    %broadcast_in_dim3A_151 = arith.constant 0.000000e+00 : f32
    %broadcast_in_dim3A_152 = vector.broadcast %broadcast_in_dim3A_151 : f32 to vector<136x8x128xf32>
    %mul3A_153 = arith.mulf %slice3A_143, %slice3A : vector<136x8x128xf32>
    %mul3A_154 = arith.mulf %slice3A_144, %slice3A_142 : vector<136x8x128xf32>
    %add3A_155 = arith.addf %mul3A_153, %mul3A_154 : vector<136x8x128xf32>
    %mul3A_156 = arith.mulf %slice3A_144, %slice3A : vector<136x8x128xf32>
    %mul3A_157 = arith.mulf %slice3A_143, %slice3A_142 : vector<136x8x128xf32>
    %sub3A_158 = arith.subf %mul3A_156, %mul3A_157 : vector<136x8x128xf32>
    %mul3A_159 = arith.mulf %add3A_155, %div3A_149 : vector<136x8x128xf32>
    %mul3A_160 = arith.mulf %sub3A_158, %div3A_149 : vector<136x8x128xf32>
    %ne3A = arith.cmpf one, %mul3A_159, %mul3A_159 : vector<136x8x128xf32>
    %jit3A = arith.constant 0.000000e+00 : f32
    %broadcast_in_dim3A_161 = vector.broadcast %jit3A : f32 to vector<136x8x128xf32>
    %select_n3A = arith.select %ne3A, %broadcast_in_dim3A_161, %mul3A_159 : vector<136x8x128xi1>, vector<136x8x128xf32>
    %ne3A_162 = arith.cmpf one, %mul3A_160, %mul3A_160 : vector<136x8x128xf32>
    %jit3A_163 = arith.constant 0.000000e+00 : f32
    %broadcast_in_dim3A_164 = vector.broadcast %jit3A_163 : f32 to vector<136x8x128xf32>
    %select_n3A_165 = arith.select %ne3A_162, %broadcast_in_dim3A_164, %mul3A_160 : vector<136x8x128xi1>, vector<136x8x128xf32>
    %jit3A_166 = arith.constant -1.000000e+01 : f32
    %jit3A_167 = arith.constant 1.000000e+01 : f32
    %max3A = vector.broadcast %jit3A_166 : f32 to vector<136x8x128xf32>
    %max3A_168 = arith.maximumf %max3A, %select_n3A : vector<136x8x128xf32>
    %min3A = vector.broadcast %jit3A_167 : f32 to vector<136x8x128xf32>
    %min3A_169 = arith.minimumf %min3A, %max3A_168 : vector<136x8x128xf32>
    %add3A_170 = arith.addf %broadcast_in_dim3A_150, %min3A_169 : vector<136x8x128xf32>
    %jit3A_171 = arith.constant -1.000000e+01 : f32
    %jit3A_172 = arith.constant 1.000000e+01 : f32
    %max3A_173 = vector.broadcast %jit3A_171 : f32 to vector<136x8x128xf32>
    %max3A_174 = arith.maximumf %max3A_173, %select_n3A_165 : vector<136x8x128xf32>
    %min3A_175 = vector.broadcast %jit3A_172 : f32 to vector<136x8x128xf32>
    %min3A_176 = arith.minimumf %min3A_175, %max3A_174 : vector<136x8x128xf32>
    %add3A_177 = arith.addf %broadcast_in_dim3A_152, %min3A_176 : vector<136x8x128xf32>
    %slice3A_178 = vector.extract_strided_slice %slice3A_143 {offsets = [0, 1, 0], sizes = [136, 7, 128], strides = [1, 1, 1]} : vector<136x8x128xf32> to vector<136x7x128xf32>
    %slice3A_179 = vector.extract_strided_slice %slice3A_143 {offsets = [0, 0, 0], sizes = [136, 1, 128], strides = [1, 1, 1]} : vector<136x8x128xf32> to vector<136x1x128xf32>
    %concatenate3A_180 = tpu.concatenate %slice3A_178, %slice3A_179 in 1 : vector<136x7x128xf32>, vector<136x1x128xf32> -> vector<136x8x128xf32>
    %slice3A_181 = vector.extract_strided_slice %slice3A_144 {offsets = [0, 1, 0], sizes = [136, 7, 128], strides = [1, 1, 1]} : vector<136x8x128xf32> to vector<136x7x128xf32>
    %slice3A_182 = vector.extract_strided_slice %slice3A_144 {offsets = [0, 0, 0], sizes = [136, 1, 128], strides = [1, 1, 1]} : vector<136x8x128xf32> to vector<136x1x128xf32>
    %concatenate3A_183 = tpu.concatenate %slice3A_181, %slice3A_182 in 1 : vector<136x7x128xf32>, vector<136x1x128xf32> -> vector<136x8x128xf32>
    %mul3A_184 = arith.mulf %concatenate3A_180, %slice3A : vector<136x8x128xf32>
    %mul3A_185 = arith.mulf %concatenate3A_183, %slice3A_142 : vector<136x8x128xf32>
    %add3A_186 = arith.addf %mul3A_184, %mul3A_185 : vector<136x8x128xf32>
    %mul3A_187 = arith.mulf %concatenate3A_183, %slice3A : vector<136x8x128xf32>
    %mul3A_188 = arith.mulf %concatenate3A_180, %slice3A_142 : vector<136x8x128xf32>
    %sub3A_189 = arith.subf %mul3A_187, %mul3A_188 : vector<136x8x128xf32>
    %mul3A_190 = arith.mulf %add3A_186, %div3A_149 : vector<136x8x128xf32>
    %mul3A_191 = arith.mulf %sub3A_189, %div3A_149 : vector<136x8x128xf32>
    %ne3A_192 = arith.cmpf one, %mul3A_190, %mul3A_190 : vector<136x8x128xf32>
    %jit3A_193 = arith.constant 0.000000e+00 : f32
    %broadcast_in_dim3A_194 = vector.broadcast %jit3A_193 : f32 to vector<136x8x128xf32>
    %select_n3A_195 = arith.select %ne3A_192, %broadcast_in_dim3A_194, %mul3A_190 : vector<136x8x128xi1>, vector<136x8x128xf32>
    %ne3A_196 = arith.cmpf one, %mul3A_191, %mul3A_191 : vector<136x8x128xf32>
    %jit3A_197 = arith.constant 0.000000e+00 : f32
    %broadcast_in_dim3A_198 = vector.broadcast %jit3A_197 : f32 to vector<136x8x128xf32>
    %select_n3A_199 = arith.select %ne3A_196, %broadcast_in_dim3A_198, %mul3A_191 : vector<136x8x128xi1>, vector<136x8x128xf32>
    %jit3A_200 = arith.constant -1.000000e+01 : f32
    %jit3A_201 = arith.constant 1.000000e+01 : f32
    %max3A_202 = vector.broadcast %jit3A_200 : f32 to vector<136x8x128xf32>
    %max3A_203 = arith.maximumf %max3A_202, %select_n3A_195 : vector<136x8x128xf32>
    %min3A_204 = vector.broadcast %jit3A_201 : f32 to vector<136x8x128xf32>
    %min3A_205 = arith.minimumf %min3A_204, %max3A_203 : vector<136x8x128xf32>
    %add3A_206 = arith.addf %add3A_170, %min3A_205 : vector<136x8x128xf32>
    %jit3A_207 = arith.constant -1.000000e+01 : f32
    %jit3A_208 = arith.constant 1.000000e+01 : f32
    %max3A_209 = vector.broadcast %jit3A_207 : f32 to vector<136x8x128xf32>
    %max3A_210 = arith.maximumf %max3A_209, %select_n3A_199 : vector<136x8x128xf32>
    %min3A_211 = vector.broadcast %jit3A_208 : f32 to vector<136x8x128xf32>
    %min3A_212 = arith.minimumf %min3A_211, %max3A_210 : vector<136x8x128xf32>
    %add3A_213 = arith.addf %add3A_177, %min3A_212 : vector<136x8x128xf32>
    %slice3A_214 = vector.extract_strided_slice %slice3A_143 {offsets = [0, 2, 0], sizes = [136, 6, 128], strides = [1, 1, 1]} : vector<136x8x128xf32> to vector<136x6x128xf32>
    %slice3A_215 = vector.extract_strided_slice %slice3A_143 {offsets = [0, 0, 0], sizes = [136, 2, 128], strides = [1, 1, 1]} : vector<136x8x128xf32> to vector<136x2x128xf32>
    %concatenate3A_216 = tpu.concatenate %slice3A_214, %slice3A_215 in 1 : vector<136x6x128xf32>, vector<136x2x128xf32> -> vector<136x8x128xf32>
    %slice3A_217 = vector.extract_strided_slice %slice3A_144 {offsets = [0, 2, 0], sizes = [136, 6, 128], strides = [1, 1, 1]} : vector<136x8x128xf32> to vector<136x6x128xf32>
    %slice3A_218 = vector.extract_strided_slice %slice3A_144 {offsets = [0, 0, 0], sizes = [136, 2, 128], strides = [1, 1, 1]} : vector<136x8x128xf32> to vector<136x2x128xf32>
    %concatenate3A_219 = tpu.concatenate %slice3A_217, %slice3A_218 in 1 : vector<136x6x128xf32>, vector<136x2x128xf32> -> vector<136x8x128xf32>
    %mul3A_220 = arith.mulf %concatenate3A_216, %slice3A : vector<136x8x128xf32>
    %mul3A_221 = arith.mulf %concatenate3A_219, %slice3A_142 : vector<136x8x128xf32>
    %add3A_222 = arith.addf %mul3A_220, %mul3A_221 : vector<136x8x128xf32>
    %mul3A_223 = arith.mulf %concatenate3A_219, %slice3A : vector<136x8x128xf32>
    %mul3A_224 = arith.mulf %concatenate3A_216, %slice3A_142 : vector<136x8x128xf32>
    %sub3A_225 = arith.subf %mul3A_223, %mul3A_224 : vector<136x8x128xf32>
    %mul3A_226 = arith.mulf %add3A_222, %div3A_149 : vector<136x8x128xf32>
    %mul3A_227 = arith.mulf %sub3A_225, %div3A_149 : vector<136x8x128xf32>
    %ne3A_228 = arith.cmpf one, %mul3A_226, %mul3A_226 : vector<136x8x128xf32>
    %jit3A_229 = arith.constant 0.000000e+00 : f32
    %broadcast_in_dim3A_230 = vector.broadcast %jit3A_229 : f32 to vector<136x8x128xf32>
    %select_n3A_231 = arith.select %ne3A_228, %broadcast_in_dim3A_230, %mul3A_226 : vector<136x8x128xi1>, vector<136x8x128xf32>
    %ne3A_232 = arith.cmpf one, %mul3A_227, %mul3A_227 : vector<136x8x128xf32>
    %jit3A_233 = arith.constant 0.000000e+00 : f32
    %broadcast_in_dim3A_234 = vector.broadcast %jit3A_233 : f32 to vector<136x8x128xf32>
    %select_n3A_235 = arith.select %ne3A_232, %broadcast_in_dim3A_234, %mul3A_227 : vector<136x8x128xi1>, vector<136x8x128xf32>
    %jit3A_236 = arith.constant -1.000000e+01 : f32
    %jit3A_237 = arith.constant 1.000000e+01 : f32
    %max3A_238 = vector.broadcast %jit3A_236 : f32 to vector<136x8x128xf32>
    %max3A_239 = arith.maximumf %max3A_238, %select_n3A_231 : vector<136x8x128xf32>
    %min3A_240 = vector.broadcast %jit3A_237 : f32 to vector<136x8x128xf32>
    %min3A_241 = arith.minimumf %min3A_240, %max3A_239 : vector<136x8x128xf32>
    %add3A_242 = arith.addf %add3A_206, %min3A_241 : vector<136x8x128xf32>
    %jit3A_243 = arith.constant -1.000000e+01 : f32
    %jit3A_244 = arith.constant 1.000000e+01 : f32
    %max3A_245 = vector.broadcast %jit3A_243 : f32 to vector<136x8x128xf32>
    %max3A_246 = arith.maximumf %max3A_245, %select_n3A_235 : vector<136x8x128xf32>
    %min3A_247 = vector.broadcast %jit3A_244 : f32 to vector<136x8x128xf32>
    %min3A_248 = arith.minimumf %min3A_247, %max3A_246 : vector<136x8x128xf32>
    %add3A_249 = arith.addf %add3A_213, %min3A_248 : vector<136x8x128xf32>
    %slice3A_250 = vector.extract_strided_slice %slice3A_143 {offsets = [0, 3, 0], sizes = [136, 5, 128], strides = [1, 1, 1]} : vector<136x8x128xf32> to vector<136x5x128xf32>
    %slice3A_251 = vector.extract_strided_slice %slice3A_143 {offsets = [0, 0, 0], sizes = [136, 3, 128], strides = [1, 1, 1]} : vector<136x8x128xf32> to vector<136x3x128xf32>
    %concatenate3A_252 = tpu.concatenate %slice3A_250, %slice3A_251 in 1 : vector<136x5x128xf32>, vector<136x3x128xf32> -> vector<136x8x128xf32>
    %slice3A_253 = vector.extract_strided_slice %slice3A_144 {offsets = [0, 3, 0], sizes = [136, 5, 128], strides = [1, 1, 1]} : vector<136x8x128xf32> to vector<136x5x128xf32>
    %slice3A_254 = vector.extract_strided_slice %slice3A_144 {offsets = [0, 0, 0], sizes = [136, 3, 128], strides = [1, 1, 1]} : vector<136x8x128xf32> to vector<136x3x128xf32>
    %concatenate3A_255 = tpu.concatenate %slice3A_253, %slice3A_254 in 1 : vector<136x5x128xf32>, vector<136x3x128xf32> -> vector<136x8x128xf32>
    %mul3A_256 = arith.mulf %concatenate3A_252, %slice3A : vector<136x8x128xf32>
    %mul3A_257 = arith.mulf %concatenate3A_255, %slice3A_142 : vector<136x8x128xf32>
    %add3A_258 = arith.addf %mul3A_256, %mul3A_257 : vector<136x8x128xf32>
    %mul3A_259 = arith.mulf %concatenate3A_255, %slice3A : vector<136x8x128xf32>
    %mul3A_260 = arith.mulf %concatenate3A_252, %slice3A_142 : vector<136x8x128xf32>
    %sub3A_261 = arith.subf %mul3A_259, %mul3A_260 : vector<136x8x128xf32>
    %mul3A_262 = arith.mulf %add3A_258, %div3A_149 : vector<136x8x128xf32>
    %mul3A_263 = arith.mulf %sub3A_261, %div3A_149 : vector<136x8x128xf32>
    %ne3A_264 = arith.cmpf one, %mul3A_262, %mul3A_262 : vector<136x8x128xf32>
    %jit3A_265 = arith.constant 0.000000e+00 : f32
    %broadcast_in_dim3A_266 = vector.broadcast %jit3A_265 : f32 to vector<136x8x128xf32>
    %select_n3A_267 = arith.select %ne3A_264, %broadcast_in_dim3A_266, %mul3A_262 : vector<136x8x128xi1>, vector<136x8x128xf32>
    %ne3A_268 = arith.cmpf one, %mul3A_263, %mul3A_263 : vector<136x8x128xf32>
    %jit3A_269 = arith.constant 0.000000e+00 : f32
    %broadcast_in_dim3A_270 = vector.broadcast %jit3A_269 : f32 to vector<136x8x128xf32>
    %select_n3A_271 = arith.select %ne3A_268, %broadcast_in_dim3A_270, %mul3A_263 : vector<136x8x128xi1>, vector<136x8x128xf32>
    %jit3A_272 = arith.constant -1.000000e+01 : f32
    %jit3A_273 = arith.constant 1.000000e+01 : f32
    %max3A_274 = vector.broadcast %jit3A_272 : f32 to vector<136x8x128xf32>
    %max3A_275 = arith.maximumf %max3A_274, %select_n3A_267 : vector<136x8x128xf32>
    %min3A_276 = vector.broadcast %jit3A_273 : f32 to vector<136x8x128xf32>
    %min3A_277 = arith.minimumf %min3A_276, %max3A_275 : vector<136x8x128xf32>
    %add3A_278 = arith.addf %add3A_242, %min3A_277 : vector<136x8x128xf32>
    %jit3A_279 = arith.constant -1.000000e+01 : f32
    %jit3A_280 = arith.constant 1.000000e+01 : f32
    %max3A_281 = vector.broadcast %jit3A_279 : f32 to vector<136x8x128xf32>
    %max3A_282 = arith.maximumf %max3A_281, %select_n3A_271 : vector<136x8x128xf32>
    %min3A_283 = vector.broadcast %jit3A_280 : f32 to vector<136x8x128xf32>
    %min3A_284 = arith.minimumf %min3A_283, %max3A_282 : vector<136x8x128xf32>
    %add3A_285 = arith.addf %add3A_249, %min3A_284 : vector<136x8x128xf32>
    %slice3A_286 = vector.extract_strided_slice %slice3A_143 {offsets = [0, 4, 0], sizes = [136, 4, 128], strides = [1, 1, 1]} : vector<136x8x128xf32> to vector<136x4x128xf32>
    %slice3A_287 = vector.extract_strided_slice %slice3A_143 {offsets = [0, 0, 0], sizes = [136, 4, 128], strides = [1, 1, 1]} : vector<136x8x128xf32> to vector<136x4x128xf32>
    %concatenate3A_288 = tpu.concatenate %slice3A_286, %slice3A_287 in 1 : vector<136x4x128xf32>, vector<136x4x128xf32> -> vector<136x8x128xf32>
    %slice3A_289 = vector.extract_strided_slice %slice3A_144 {offsets = [0, 4, 0], sizes = [136, 4, 128], strides = [1, 1, 1]} : vector<136x8x128xf32> to vector<136x4x128xf32>
    %slice3A_290 = vector.extract_strided_slice %slice3A_144 {offsets = [0, 0, 0], sizes = [136, 4, 128], strides = [1, 1, 1]} : vector<136x8x128xf32> to vector<136x4x128xf32>
    %concatenate3A_291 = tpu.concatenate %slice3A_289, %slice3A_290 in 1 : vector<136x4x128xf32>, vector<136x4x128xf32> -> vector<136x8x128xf32>
    %mul3A_292 = arith.mulf %concatenate3A_288, %slice3A : vector<136x8x128xf32>
    %mul3A_293 = arith.mulf %concatenate3A_291, %slice3A_142 : vector<136x8x128xf32>
    %add3A_294 = arith.addf %mul3A_292, %mul3A_293 : vector<136x8x128xf32>
    %mul3A_295 = arith.mulf %concatenate3A_291, %slice3A : vector<136x8x128xf32>
    %mul3A_296 = arith.mulf %concatenate3A_288, %slice3A_142 : vector<136x8x128xf32>
    %sub3A_297 = arith.subf %mul3A_295, %mul3A_296 : vector<136x8x128xf32>
    %mul3A_298 = arith.mulf %add3A_294, %div3A_149 : vector<136x8x128xf32>
    %mul3A_299 = arith.mulf %sub3A_297, %div3A_149 : vector<136x8x128xf32>
    %ne3A_300 = arith.cmpf one, %mul3A_298, %mul3A_298 : vector<136x8x128xf32>
    %jit3A_301 = arith.constant 0.000000e+00 : f32
    %broadcast_in_dim3A_302 = vector.broadcast %jit3A_301 : f32 to vector<136x8x128xf32>
    %select_n3A_303 = arith.select %ne3A_300, %broadcast_in_dim3A_302, %mul3A_298 : vector<136x8x128xi1>, vector<136x8x128xf32>
    %ne3A_304 = arith.cmpf one, %mul3A_299, %mul3A_299 : vector<136x8x128xf32>
    %jit3A_305 = arith.constant 0.000000e+00 : f32
    %broadcast_in_dim3A_306 = vector.broadcast %jit3A_305 : f32 to vector<136x8x128xf32>
    %select_n3A_307 = arith.select %ne3A_304, %broadcast_in_dim3A_306, %mul3A_299 : vector<136x8x128xi1>, vector<136x8x128xf32>
    %jit3A_308 = arith.constant -1.000000e+01 : f32
    %jit3A_309 = arith.constant 1.000000e+01 : f32
    %max3A_310 = vector.broadcast %jit3A_308 : f32 to vector<136x8x128xf32>
    %max3A_311 = arith.maximumf %max3A_310, %select_n3A_303 : vector<136x8x128xf32>
    %min3A_312 = vector.broadcast %jit3A_309 : f32 to vector<136x8x128xf32>
    %min3A_313 = arith.minimumf %min3A_312, %max3A_311 : vector<136x8x128xf32>
    %add3A_314 = arith.addf %add3A_278, %min3A_313 : vector<136x8x128xf32>
    %jit3A_315 = arith.constant -1.000000e+01 : f32
    %jit3A_316 = arith.constant 1.000000e+01 : f32
    %max3A_317 = vector.broadcast %jit3A_315 : f32 to vector<136x8x128xf32>
    %max3A_318 = arith.maximumf %max3A_317, %select_n3A_307 : vector<136x8x128xf32>
    %min3A_319 = vector.broadcast %jit3A_316 : f32 to vector<136x8x128xf32>
    %min3A_320 = arith.minimumf %min3A_319, %max3A_318 : vector<136x8x128xf32>
    %add3A_321 = arith.addf %add3A_285, %min3A_320 : vector<136x8x128xf32>
    %slice3A_322 = vector.extract_strided_slice %slice3A_143 {offsets = [0, 5, 0], sizes = [136, 3, 128], strides = [1, 1, 1]} : vector<136x8x128xf32> to vector<136x3x128xf32>
    %slice3A_323 = vector.extract_strided_slice %slice3A_143 {offsets = [0, 0, 0], sizes = [136, 5, 128], strides = [1, 1, 1]} : vector<136x8x128xf32> to vector<136x5x128xf32>
    %concatenate3A_324 = tpu.concatenate %slice3A_322, %slice3A_323 in 1 : vector<136x3x128xf32>, vector<136x5x128xf32> -> vector<136x8x128xf32>
    %slice3A_325 = vector.extract_strided_slice %slice3A_144 {offsets = [0, 5, 0], sizes = [136, 3, 128], strides = [1, 1, 1]} : vector<136x8x128xf32> to vector<136x3x128xf32>
    %slice3A_326 = vector.extract_strided_slice %slice3A_144 {offsets = [0, 0, 0], sizes = [136, 5, 128], strides = [1, 1, 1]} : vector<136x8x128xf32> to vector<136x5x128xf32>
    %concatenate3A_327 = tpu.concatenate %slice3A_325, %slice3A_326 in 1 : vector<136x3x128xf32>, vector<136x5x128xf32> -> vector<136x8x128xf32>
    %mul3A_328 = arith.mulf %concatenate3A_324, %slice3A : vector<136x8x128xf32>
    %mul3A_329 = arith.mulf %concatenate3A_327, %slice3A_142 : vector<136x8x128xf32>
    %add3A_330 = arith.addf %mul3A_328, %mul3A_329 : vector<136x8x128xf32>
    %mul3A_331 = arith.mulf %concatenate3A_327, %slice3A : vector<136x8x128xf32>
    %mul3A_332 = arith.mulf %concatenate3A_324, %slice3A_142 : vector<136x8x128xf32>
    %sub3A_333 = arith.subf %mul3A_331, %mul3A_332 : vector<136x8x128xf32>
    %mul3A_334 = arith.mulf %add3A_330, %div3A_149 : vector<136x8x128xf32>
    %mul3A_335 = arith.mulf %sub3A_333, %div3A_149 : vector<136x8x128xf32>
    %ne3A_336 = arith.cmpf one, %mul3A_334, %mul3A_334 : vector<136x8x128xf32>
    %jit3A_337 = arith.constant 0.000000e+00 : f32
    %broadcast_in_dim3A_338 = vector.broadcast %jit3A_337 : f32 to vector<136x8x128xf32>
    %select_n3A_339 = arith.select %ne3A_336, %broadcast_in_dim3A_338, %mul3A_334 : vector<136x8x128xi1>, vector<136x8x128xf32>
    %ne3A_340 = arith.cmpf one, %mul3A_335, %mul3A_335 : vector<136x8x128xf32>
    %jit3A_341 = arith.constant 0.000000e+00 : f32
    %broadcast_in_dim3A_342 = vector.broadcast %jit3A_341 : f32 to vector<136x8x128xf32>
    %select_n3A_343 = arith.select %ne3A_340, %broadcast_in_dim3A_342, %mul3A_335 : vector<136x8x128xi1>, vector<136x8x128xf32>
    %jit3A_344 = arith.constant -1.000000e+01 : f32
    %jit3A_345 = arith.constant 1.000000e+01 : f32
    %max3A_346 = vector.broadcast %jit3A_344 : f32 to vector<136x8x128xf32>
    %max3A_347 = arith.maximumf %max3A_346, %select_n3A_339 : vector<136x8x128xf32>
    %min3A_348 = vector.broadcast %jit3A_345 : f32 to vector<136x8x128xf32>
    %min3A_349 = arith.minimumf %min3A_348, %max3A_347 : vector<136x8x128xf32>
    %add3A_350 = arith.addf %add3A_314, %min3A_349 : vector<136x8x128xf32>
    %jit3A_351 = arith.constant -1.000000e+01 : f32
    %jit3A_352 = arith.constant 1.000000e+01 : f32
    %max3A_353 = vector.broadcast %jit3A_351 : f32 to vector<136x8x128xf32>
    %max3A_354 = arith.maximumf %max3A_353, %select_n3A_343 : vector<136x8x128xf32>
    %min3A_355 = vector.broadcast %jit3A_352 : f32 to vector<136x8x128xf32>
    %min3A_356 = arith.minimumf %min3A_355, %max3A_354 : vector<136x8x128xf32>
    %add3A_357 = arith.addf %add3A_321, %min3A_356 : vector<136x8x128xf32>
    %slice3A_358 = vector.extract_strided_slice %slice3A_143 {offsets = [0, 6, 0], sizes = [136, 2, 128], strides = [1, 1, 1]} : vector<136x8x128xf32> to vector<136x2x128xf32>
    %slice3A_359 = vector.extract_strided_slice %slice3A_143 {offsets = [0, 0, 0], sizes = [136, 6, 128], strides = [1, 1, 1]} : vector<136x8x128xf32> to vector<136x6x128xf32>
    %concatenate3A_360 = tpu.concatenate %slice3A_358, %slice3A_359 in 1 : vector<136x2x128xf32>, vector<136x6x128xf32> -> vector<136x8x128xf32>
    %slice3A_361 = vector.extract_strided_slice %slice3A_144 {offsets = [0, 6, 0], sizes = [136, 2, 128], strides = [1, 1, 1]} : vector<136x8x128xf32> to vector<136x2x128xf32>
    %slice3A_362 = vector.extract_strided_slice %slice3A_144 {offsets = [0, 0, 0], sizes = [136, 6, 128], strides = [1, 1, 1]} : vector<136x8x128xf32> to vector<136x6x128xf32>
    %concatenate3A_363 = tpu.concatenate %slice3A_361, %slice3A_362 in 1 : vector<136x2x128xf32>, vector<136x6x128xf32> -> vector<136x8x128xf32>
    %mul3A_364 = arith.mulf %concatenate3A_360, %slice3A : vector<136x8x128xf32>
    %mul3A_365 = arith.mulf %concatenate3A_363, %slice3A_142 : vector<136x8x128xf32>
    %add3A_366 = arith.addf %mul3A_364, %mul3A_365 : vector<136x8x128xf32>
    %mul3A_367 = arith.mulf %concatenate3A_363, %slice3A : vector<136x8x128xf32>
    %mul3A_368 = arith.mulf %concatenate3A_360, %slice3A_142 : vector<136x8x128xf32>
    %sub3A_369 = arith.subf %mul3A_367, %mul3A_368 : vector<136x8x128xf32>
    %mul3A_370 = arith.mulf %add3A_366, %div3A_149 : vector<136x8x128xf32>
    %mul3A_371 = arith.mulf %sub3A_369, %div3A_149 : vector<136x8x128xf32>
    %ne3A_372 = arith.cmpf one, %mul3A_370, %mul3A_370 : vector<136x8x128xf32>
    %jit3A_373 = arith.constant 0.000000e+00 : f32
    %broadcast_in_dim3A_374 = vector.broadcast %jit3A_373 : f32 to vector<136x8x128xf32>
    %select_n3A_375 = arith.select %ne3A_372, %broadcast_in_dim3A_374, %mul3A_370 : vector<136x8x128xi1>, vector<136x8x128xf32>
    %ne3A_376 = arith.cmpf one, %mul3A_371, %mul3A_371 : vector<136x8x128xf32>
    %jit3A_377 = arith.constant 0.000000e+00 : f32
    %broadcast_in_dim3A_378 = vector.broadcast %jit3A_377 : f32 to vector<136x8x128xf32>
    %select_n3A_379 = arith.select %ne3A_376, %broadcast_in_dim3A_378, %mul3A_371 : vector<136x8x128xi1>, vector<136x8x128xf32>
    %jit3A_380 = arith.constant -1.000000e+01 : f32
    %jit3A_381 = arith.constant 1.000000e+01 : f32
    %max3A_382 = vector.broadcast %jit3A_380 : f32 to vector<136x8x128xf32>
    %max3A_383 = arith.maximumf %max3A_382, %select_n3A_375 : vector<136x8x128xf32>
    %min3A_384 = vector.broadcast %jit3A_381 : f32 to vector<136x8x128xf32>
    %min3A_385 = arith.minimumf %min3A_384, %max3A_383 : vector<136x8x128xf32>
    %add3A_386 = arith.addf %add3A_350, %min3A_385 : vector<136x8x128xf32>
    %jit3A_387 = arith.constant -1.000000e+01 : f32
    %jit3A_388 = arith.constant 1.000000e+01 : f32
    %max3A_389 = vector.broadcast %jit3A_387 : f32 to vector<136x8x128xf32>
    %max3A_390 = arith.maximumf %max3A_389, %select_n3A_379 : vector<136x8x128xf32>
    %min3A_391 = vector.broadcast %jit3A_388 : f32 to vector<136x8x128xf32>
    %min3A_392 = arith.minimumf %min3A_391, %max3A_390 : vector<136x8x128xf32>
    %add3A_393 = arith.addf %add3A_357, %min3A_392 : vector<136x8x128xf32>
    %slice3A_394 = vector.extract_strided_slice %slice3A_143 {offsets = [0, 7, 0], sizes = [136, 1, 128], strides = [1, 1, 1]} : vector<136x8x128xf32> to vector<136x1x128xf32>
    %slice3A_395 = vector.extract_strided_slice %slice3A_143 {offsets = [0, 0, 0], sizes = [136, 7, 128], strides = [1, 1, 1]} : vector<136x8x128xf32> to vector<136x7x128xf32>
    %concatenate3A_396 = tpu.concatenate %slice3A_394, %slice3A_395 in 1 : vector<136x1x128xf32>, vector<136x7x128xf32> -> vector<136x8x128xf32>
    %slice3A_397 = vector.extract_strided_slice %slice3A_144 {offsets = [0, 7, 0], sizes = [136, 1, 128], strides = [1, 1, 1]} : vector<136x8x128xf32> to vector<136x1x128xf32>
    %slice3A_398 = vector.extract_strided_slice %slice3A_144 {offsets = [0, 0, 0], sizes = [136, 7, 128], strides = [1, 1, 1]} : vector<136x8x128xf32> to vector<136x7x128xf32>
    %concatenate3A_399 = tpu.concatenate %slice3A_397, %slice3A_398 in 1 : vector<136x1x128xf32>, vector<136x7x128xf32> -> vector<136x8x128xf32>
    %mul3A_400 = arith.mulf %concatenate3A_396, %slice3A : vector<136x8x128xf32>
    %mul3A_401 = arith.mulf %concatenate3A_399, %slice3A_142 : vector<136x8x128xf32>
    %add3A_402 = arith.addf %mul3A_400, %mul3A_401 : vector<136x8x128xf32>
    %mul3A_403 = arith.mulf %concatenate3A_399, %slice3A : vector<136x8x128xf32>
    %mul3A_404 = arith.mulf %concatenate3A_396, %slice3A_142 : vector<136x8x128xf32>
    %sub3A_405 = arith.subf %mul3A_403, %mul3A_404 : vector<136x8x128xf32>
    %mul3A_406 = arith.mulf %add3A_402, %div3A_149 : vector<136x8x128xf32>
    %mul3A_407 = arith.mulf %sub3A_405, %div3A_149 : vector<136x8x128xf32>
    %ne3A_408 = arith.cmpf one, %mul3A_406, %mul3A_406 : vector<136x8x128xf32>
    %jit3A_409 = arith.constant 0.000000e+00 : f32
    %broadcast_in_dim3A_410 = vector.broadcast %jit3A_409 : f32 to vector<136x8x128xf32>
    %select_n3A_411 = arith.select %ne3A_408, %broadcast_in_dim3A_410, %mul3A_406 : vector<136x8x128xi1>, vector<136x8x128xf32>
    %ne3A_412 = arith.cmpf one, %mul3A_407, %mul3A_407 : vector<136x8x128xf32>
    %jit3A_413 = arith.constant 0.000000e+00 : f32
    %broadcast_in_dim3A_414 = vector.broadcast %jit3A_413 : f32 to vector<136x8x128xf32>
    %select_n3A_415 = arith.select %ne3A_412, %broadcast_in_dim3A_414, %mul3A_407 : vector<136x8x128xi1>, vector<136x8x128xf32>
    %jit3A_416 = arith.constant -1.000000e+01 : f32
    %jit3A_417 = arith.constant 1.000000e+01 : f32
    %max3A_418 = vector.broadcast %jit3A_416 : f32 to vector<136x8x128xf32>
    %max3A_419 = arith.maximumf %max3A_418, %select_n3A_411 : vector<136x8x128xf32>
    %min3A_420 = vector.broadcast %jit3A_417 : f32 to vector<136x8x128xf32>
    %min3A_421 = arith.minimumf %min3A_420, %max3A_419 : vector<136x8x128xf32>
    %add3A_422 = arith.addf %add3A_386, %min3A_421 : vector<136x8x128xf32>
    %jit3A_423 = arith.constant -1.000000e+01 : f32
    %jit3A_424 = arith.constant 1.000000e+01 : f32
    %max3A_425 = vector.broadcast %jit3A_423 : f32 to vector<136x8x128xf32>
    %max3A_426 = arith.maximumf %max3A_425, %select_n3A_415 : vector<136x8x128xf32>
    %min3A_427 = vector.broadcast %jit3A_424 : f32 to vector<136x8x128xf32>
    %min3A_428 = arith.minimumf %min3A_427, %max3A_426 : vector<136x8x128xf32>
    %add3A_429 = arith.addf %add3A_393, %min3A_428 : vector<136x8x128xf32>
    %reduce_sum3A = arith.constant dense<0.000000e+00> : vector<136x128xf32>
    %reduce_sum3A_430 = vector.multi_reduction <add>, %add3A_422, %reduce_sum3A [1] : vector<136x8x128xf32> to vector<136x128xf32>
    %mul3A_431 = arith.constant 1.562500e-02 : f32
    %mul3A_432 = vector.broadcast %mul3A_431 : f32 to vector<136x128xf32>
    %mul3A_433 = arith.mulf %reduce_sum3A_430, %mul3A_432 : vector<136x128xf32>
    %transpose3A = tpu.transpose %mul3A_433, [1, 0] : vector<136x128xf32> -> vector<128x136xf32>
    %reduce_sum3A_434 = arith.constant dense<0.000000e+00> : vector<136x128xf32>
    %reduce_sum3A_435 = vector.multi_reduction <add>, %add3A_429, %reduce_sum3A_434 [1] : vector<136x8x128xf32> to vector<136x128xf32>
    %mul3A_436 = arith.constant 1.562500e-02 : f32
    %mul3A_437 = vector.broadcast %mul3A_436 : f32 to vector<136x128xf32>
    %mul3A_438 = arith.mulf %reduce_sum3A_435, %mul3A_437 : vector<136x128xf32>
    %transpose3A_439 = tpu.transpose %mul3A_438, [1, 0] : vector<136x128xf32> -> vector<128x136xf32>
    %get3A_440 = arith.constant 0 : index
    %get3A_441 = arith.constant 0 : index
    %get3A_442 = vector.load %arg24[%get3A_440, %get3A_441] : memref<128x128xf32, #tpu.memory_space<vmem>>, vector<128x128xf32>
    %dot_general3A_443 = arith.constant dense<0.000000e+00> : vector<128x136xf32>
    %dot_general3A_444 = tpu.matmul %get3A_442, %transpose3A, %dot_general3A_443 {dimension_numbers = #tpu.dot_dimension_numbers<[1], [0], [0], [1], [0, 0, 1, 1], [], []>, precision = #tpu.contract_precision<fp32>, transpose_lhs_hint = false} : vector<128x128xf32>, vector<128x136xf32>, vector<128x136xf32> -> vector<128x136xf32>
    %get3A_445 = arith.constant 0 : index
    %get3A_446 = arith.constant 0 : index
    %get3A_447 = vector.load %arg25[%get3A_445, %get3A_446] : memref<136x127xf32, #tpu.memory_space<vmem>>, vector<136x127xf32>
    %dot_general3A_448 = arith.constant dense<0.000000e+00> : vector<128x127xf32>
    %dot_general3A_449 = tpu.matmul %dot_general3A_444, %get3A_447, %dot_general3A_448 {dimension_numbers = #tpu.dot_dimension_numbers<[1], [0], [0], [1], [0, 0, 1, 1], [], []>, precision = #tpu.contract_precision<fp32>, transpose_lhs_hint = false} : vector<128x136xf32>, vector<136x127xf32>, vector<128x127xf32> -> vector<128x127xf32>
    %get3A_450 = arith.constant 0 : index
    %get3A_451 = arith.constant 0 : index
    %get3A_452 = vector.load %arg24[%get3A_450, %get3A_451] : memref<128x128xf32, #tpu.memory_space<vmem>>, vector<128x128xf32>
    %dot_general3A_453 = arith.constant dense<0.000000e+00> : vector<128x136xf32>
    %dot_general3A_454 = tpu.matmul %get3A_452, %transpose3A_439, %dot_general3A_453 {dimension_numbers = #tpu.dot_dimension_numbers<[1], [0], [0], [1], [0, 0, 1, 1], [], []>, precision = #tpu.contract_precision<fp32>, transpose_lhs_hint = false} : vector<128x128xf32>, vector<128x136xf32>, vector<128x136xf32> -> vector<128x136xf32>
    %get3A_455 = arith.constant 0 : index
    %get3A_456 = arith.constant 0 : index
    %get3A_457 = vector.load %arg25[%get3A_455, %get3A_456] : memref<136x127xf32, #tpu.memory_space<vmem>>, vector<136x127xf32>
    %dot_general3A_458 = arith.constant dense<0.000000e+00> : vector<128x127xf32>
    %dot_general3A_459 = tpu.matmul %dot_general3A_454, %get3A_457, %dot_general3A_458 {dimension_numbers = #tpu.dot_dimension_numbers<[1], [0], [0], [1], [0, 0, 1, 1], [], []>, precision = #tpu.contract_precision<fp32>, transpose_lhs_hint = false} : vector<128x136xf32>, vector<136x127xf32>, vector<128x127xf32> -> vector<128x127xf32>
    %slice3A_460 = vector.extract_strided_slice %transpose3A {offsets = [0, 0], sizes = [128, 129], strides = [1, 1]} : vector<128x136xf32> to vector<128x129xf32>
    %concatenate3A_461 = tpu.concatenate %slice3A_460, %dot_general3A_449 in 1 : vector<128x129xf32>, vector<128x127xf32> -> vector<128x256xf32>
    %swap3A = arith.constant 0 : index
    %swap3A_462 = arith.constant 0 : index
    %swap3A_463 = arith.constant 0 : index
    %swap3A_464 = vector.load %arg26[%swap3A, %swap3A_462, %swap3A_463] : memref<1x128x256xf32, #tpu.memory_space<vmem>>, vector<1x128x256xf32>
    %swap3A_465 = vector.shape_cast %swap3A_464 : vector<1x128x256xf32> to vector<128x256xf32>
    %swap3A_466 = vector.shape_cast %concatenate3A_461 : vector<128x256xf32> to vector<1x128x256xf32>
    tpu.vector_store %arg26[%swap3A, %swap3A_462, %swap3A_463], %swap3A_466 {strides = array<i32>} : memref<1x128x256xf32, #tpu.memory_space<vmem>>, vector<1x128x256xf32>,
    %slice3A_467 = vector.extract_strided_slice %transpose3A_439 {offsets = [0, 0], sizes = [128, 129], strides = [1, 1]} : vector<128x136xf32> to vector<128x129xf32>
    %neg3A = arith.constant 0.000000e+00 : f32
    %neg3A_468 = vector.broadcast %neg3A : f32 to vector<128x127xf32>
    %neg3A_469 = arith.subf %neg3A_468, %dot_general3A_459 : vector<128x127xf32>
    %concatenate3A_470 = tpu.concatenate %slice3A_467, %neg3A_469 in 1 : vector<128x129xf32>, vector<128x127xf32> -> vector<128x256xf32>
    %swap3A_471 = arith.constant 0 : index
    %swap3A_472 = arith.constant 0 : index
    %swap3A_473 = arith.constant 0 : index
    %swap3A_474 = vector.load %arg27[%swap3A_471, %swap3A_472, %swap3A_473] : memref<1x128x256xf32, #tpu.memory_space<vmem>>, vector<1x128x256xf32>
    %swap3A_475 = vector.shape_cast %swap3A_474 : vector<1x128x256xf32> to vector<128x256xf32>
    %swap3A_476 = vector.shape_cast %concatenate3A_470 : vector<128x256xf32> to vector<1x128x256xf32>
    tpu.vector_store %arg27[%swap3A_471, %swap3A_472, %swap3A_473], %swap3A_476 {strides = array<i32>} : memref<1x128x256xf32, #tpu.memory_space<vmem>>, vector<1x128x256xf32>,
    return
  }
  func.func @transform_0(%arg0: i32, %arg1: memref<512xi32, #tpu.memory_space<smem>>) -> (i32, i32, i32) {
    %mul3A = arith.constant 8 : i32
    %mul3A_0 = arith.muli %arg0, %mul3A : i32
    %add3A = arith.constant 0 : i32
    %add3A_1 = arith.addi %mul3A_0, %add3A : i32
    %get3A = arith.index_cast %add3A_1 : i32 to index
    %get3A_2 = memref.load %arg1[%get3A] : memref<512xi32, #tpu.memory_space<smem>>
    %c0_i32 = arith.constant 0 : i32
    %c0_i32_3 = arith.constant 0 : i32
    %c0_i32_4 = arith.constant 0 : i32
    return %get3A_2, %c0_i32, %c0_i32_3 : i32, i32, i32
  }
  func.func @transform_1(%arg0: i32, %arg1: memref<512xi32, #tpu.memory_space<smem>>) -> (i32, i32, i32) {
    %mul3A = arith.constant 8 : i32
    %mul3A_0 = arith.muli %arg0, %mul3A : i32
    %add3A = arith.constant 1 : i32
    %add3A_1 = arith.addi %mul3A_0, %add3A : i32
    %get3A = arith.index_cast %add3A_1 : i32 to index
    %get3A_2 = memref.load %arg1[%get3A] : memref<512xi32, #tpu.memory_space<smem>>
    %c0_i32 = arith.constant 0 : i32
    %c0_i32_3 = arith.constant 0 : i32
    %c0_i32_4 = arith.constant 0 : i32
    return %get3A_2, %c0_i32, %c0_i32_3 : i32, i32, i32
  }
  func.func @transform_2(%arg0: i32, %arg1: memref<512xi32, #tpu.memory_space<smem>>) -> (i32, i32, i32) {
    %mul3A = arith.constant 8 : i32
    %mul3A_0 = arith.muli %arg0, %mul3A : i32
    %add3A = arith.constant 2 : i32
    %add3A_1 = arith.addi %mul3A_0, %add3A : i32
    %get3A = arith.index_cast %add3A_1 : i32 to index
    %get3A_2 = memref.load %arg1[%get3A] : memref<512xi32, #tpu.memory_space<smem>>
    %c0_i32 = arith.constant 0 : i32
    %c0_i32_3 = arith.constant 0 : i32
    %c0_i32_4 = arith.constant 0 : i32
    return %get3A_2, %c0_i32, %c0_i32_3 : i32, i32, i32
  }
  func.func @transform_3(%arg0: i32, %arg1: memref<512xi32, #tpu.memory_space<smem>>) -> (i32, i32, i32) {
    %mul3A = arith.constant 8 : i32
    %mul3A_0 = arith.muli %arg0, %mul3A : i32
    %add3A = arith.constant 3 : i32
    %add3A_1 = arith.addi %mul3A_0, %add3A : i32
    %get3A = arith.index_cast %add3A_1 : i32 to index
    %get3A_2 = memref.load %arg1[%get3A] : memref<512xi32, #tpu.memory_space<smem>>
    %c0_i32 = arith.constant 0 : i32
    %c0_i32_3 = arith.constant 0 : i32
    %c0_i32_4 = arith.constant 0 : i32
    return %get3A_2, %c0_i32, %c0_i32_3 : i32, i32, i32
  }
  func.func @transform_4(%arg0: i32, %arg1: memref<512xi32, #tpu.memory_space<smem>>) -> (i32, i32, i32) {
    %mul3A = arith.constant 8 : i32
    %mul3A_0 = arith.muli %arg0, %mul3A : i32
    %add3A = arith.constant 4 : i32
    %add3A_1 = arith.addi %mul3A_0, %add3A : i32
    %get3A = arith.index_cast %add3A_1 : i32 to index
    %get3A_2 = memref.load %arg1[%get3A] : memref<512xi32, #tpu.memory_space<smem>>
    %c0_i32 = arith.constant 0 : i32
    %c0_i32_3 = arith.constant 0 : i32
    %c0_i32_4 = arith.constant 0 : i32
    return %get3A_2, %c0_i32, %c0_i32_3 : i32, i32, i32
  }
  func.func @transform_5(%arg0: i32, %arg1: memref<512xi32, #tpu.memory_space<smem>>) -> (i32, i32, i32) {
    %mul3A = arith.constant 8 : i32
    %mul3A_0 = arith.muli %arg0, %mul3A : i32
    %add3A = arith.constant 5 : i32
    %add3A_1 = arith.addi %mul3A_0, %add3A : i32
    %get3A = arith.index_cast %add3A_1 : i32 to index
    %get3A_2 = memref.load %arg1[%get3A] : memref<512xi32, #tpu.memory_space<smem>>
    %c0_i32 = arith.constant 0 : i32
    %c0_i32_3 = arith.constant 0 : i32
    %c0_i32_4 = arith.constant 0 : i32
    return %get3A_2, %c0_i32, %c0_i32_3 : i32, i32, i32
  }
  func.func @transform_6(%arg0: i32, %arg1: memref<512xi32, #tpu.memory_space<smem>>) -> (i32, i32, i32) {
    %mul3A = arith.constant 8 : i32
    %mul3A_0 = arith.muli %arg0, %mul3A : i32
    %add3A = arith.constant 6 : i32
    %add3A_1 = arith.addi %mul3A_0, %add3A : i32
    %get3A = arith.index_cast %add3A_1 : i32 to index
    %get3A_2 = memref.load %arg1[%get3A] : memref<512xi32, #tpu.memory_space<smem>>
    %c0_i32 = arith.constant 0 : i32
    %c0_i32_3 = arith.constant 0 : i32
    %c0_i32_4 = arith.constant 0 : i32
    return %get3A_2, %c0_i32, %c0_i32_3 : i32, i32, i32
  }
  func.func @transform_7(%arg0: i32, %arg1: memref<512xi32, #tpu.memory_space<smem>>) -> (i32, i32, i32) {
    %mul3A = arith.constant 8 : i32
    %mul3A_0 = arith.muli %arg0, %mul3A : i32
    %add3A = arith.constant 7 : i32
    %add3A_1 = arith.addi %mul3A_0, %add3A : i32
    %get3A = arith.index_cast %add3A_1 : i32 to index
    %get3A_2 = memref.load %arg1[%get3A] : memref<512xi32, #tpu.memory_space<smem>>
    %c0_i32 = arith.constant 0 : i32
    %c0_i32_3 = arith.constant 0 : i32
    %c0_i32_4 = arith.constant 0 : i32
    return %get3A_2, %c0_i32, %c0_i32_3 : i32, i32, i32
  }
  func.func @transform_8(%arg0: i32, %arg1: memref<512xi32, #tpu.memory_space<smem>>) -> (i32, i32, i32) {
    %mul3A = arith.constant 8 : i32
    %mul3A_0 = arith.muli %arg0, %mul3A : i32
    %add3A = arith.constant 256 : i32
    %add3A_1 = arith.addi %add3A, %mul3A_0 : i32
    %add3A_2 = arith.constant 0 : i32
    %add3A_3 = arith.addi %add3A_1, %add3A_2 : i32
    %get3A = arith.index_cast %add3A_3 : i32 to index
    %get3A_4 = memref.load %arg1[%get3A] : memref<512xi32, #tpu.memory_space<smem>>
    %c0_i32 = arith.constant 0 : i32
    %c0_i32_5 = arith.constant 0 : i32
    %c0_i32_6 = arith.constant 0 : i32
    return %get3A_4, %c0_i32, %c0_i32_5 : i32, i32, i32
  }
  func.func @transform_9(%arg0: i32, %arg1: memref<512xi32, #tpu.memory_space<smem>>) -> (i32, i32, i32) {
    %mul3A = arith.constant 8 : i32
    %mul3A_0 = arith.muli %arg0, %mul3A : i32
    %add3A = arith.constant 256 : i32
    %add3A_1 = arith.addi %add3A, %mul3A_0 : i32
    %add3A_2 = arith.constant 1 : i32
    %add3A_3 = arith.addi %add3A_1, %add3A_2 : i32
    %get3A = arith.index_cast %add3A_3 : i32 to index
    %get3A_4 = memref.load %arg1[%get3A] : memref<512xi32, #tpu.memory_space<smem>>
    %c0_i32 = arith.constant 0 : i32
    %c0_i32_5 = arith.constant 0 : i32
    %c0_i32_6 = arith.constant 0 : i32
    return %get3A_4, %c0_i32, %c0_i32_5 : i32, i32, i32
  }
  func.func @transform_10(%arg0: i32, %arg1: memref<512xi32, #tpu.memory_space<smem>>) -> (i32, i32, i32) {
    %mul3A = arith.constant 8 : i32
    %mul3A_0 = arith.muli %arg0, %mul3A : i32
    %add3A = arith.constant 256 : i32
    %add3A_1 = arith.addi %add3A, %mul3A_0 : i32
    %add3A_2 = arith.constant 2 : i32
    %add3A_3 = arith.addi %add3A_1, %add3A_2 : i32
    %get3A = arith.index_cast %add3A_3 : i32 to index
    %get3A_4 = memref.load %arg1[%get3A] : memref<512xi32, #tpu.memory_space<smem>>
    %c0_i32 = arith.constant 0 : i32
    %c0_i32_5 = arith.constant 0 : i32
    %c0_i32_6 = arith.constant 0 : i32
    return %get3A_4, %c0_i32, %c0_i32_5 : i32, i32, i32
  }
  func.func @transform_11(%arg0: i32, %arg1: memref<512xi32, #tpu.memory_space<smem>>) -> (i32, i32, i32) {
    %mul3A = arith.constant 8 : i32
    %mul3A_0 = arith.muli %arg0, %mul3A : i32
    %add3A = arith.constant 256 : i32
    %add3A_1 = arith.addi %add3A, %mul3A_0 : i32
    %add3A_2 = arith.constant 3 : i32
    %add3A_3 = arith.addi %add3A_1, %add3A_2 : i32
    %get3A = arith.index_cast %add3A_3 : i32 to index
    %get3A_4 = memref.load %arg1[%get3A] : memref<512xi32, #tpu.memory_space<smem>>
    %c0_i32 = arith.constant 0 : i32
    %c0_i32_5 = arith.constant 0 : i32
    %c0_i32_6 = arith.constant 0 : i32
    return %get3A_4, %c0_i32, %c0_i32_5 : i32, i32, i32
  }
  func.func @transform_12(%arg0: i32, %arg1: memref<512xi32, #tpu.memory_space<smem>>) -> (i32, i32, i32) {
    %mul3A = arith.constant 8 : i32
    %mul3A_0 = arith.muli %arg0, %mul3A : i32
    %add3A = arith.constant 256 : i32
    %add3A_1 = arith.addi %add3A, %mul3A_0 : i32
    %add3A_2 = arith.constant 4 : i32
    %add3A_3 = arith.addi %add3A_1, %add3A_2 : i32
    %get3A = arith.index_cast %add3A_3 : i32 to index
    %get3A_4 = memref.load %arg1[%get3A] : memref<512xi32, #tpu.memory_space<smem>>
    %c0_i32 = arith.constant 0 : i32
    %c0_i32_5 = arith.constant 0 : i32
    %c0_i32_6 = arith.constant 0 : i32
    return %get3A_4, %c0_i32, %c0_i32_5 : i32, i32, i32
  }
  func.func @transform_13(%arg0: i32, %arg1: memref<512xi32, #tpu.memory_space<smem>>) -> (i32, i32, i32) {
    %mul3A = arith.constant 8 : i32
    %mul3A_0 = arith.muli %arg0, %mul3A : i32
    %add3A = arith.constant 256 : i32
    %add3A_1 = arith.addi %add3A, %mul3A_0 : i32
    %add3A_2 = arith.constant 5 : i32
    %add3A_3 = arith.addi %add3A_1, %add3A_2 : i32
    %get3A = arith.index_cast %add3A_3 : i32 to index
    %get3A_4 = memref.load %arg1[%get3A] : memref<512xi32, #tpu.memory_space<smem>>
    %c0_i32 = arith.constant 0 : i32
    %c0_i32_5 = arith.constant 0 : i32
    %c0_i32_6 = arith.constant 0 : i32
    return %get3A_4, %c0_i32, %c0_i32_5 : i32, i32, i32
  }
  func.func @transform_14(%arg0: i32, %arg1: memref<512xi32, #tpu.memory_space<smem>>) -> (i32, i32, i32) {
    %mul3A = arith.constant 8 : i32
    %mul3A_0 = arith.muli %arg0, %mul3A : i32
    %add3A = arith.constant 256 : i32
    %add3A_1 = arith.addi %add3A, %mul3A_0 : i32
    %add3A_2 = arith.constant 6 : i32
    %add3A_3 = arith.addi %add3A_1, %add3A_2 : i32
    %get3A = arith.index_cast %add3A_3 : i32 to index
    %get3A_4 = memref.load %arg1[%get3A] : memref<512xi32, #tpu.memory_space<smem>>
    %c0_i32 = arith.constant 0 : i32
    %c0_i32_5 = arith.constant 0 : i32
    %c0_i32_6 = arith.constant 0 : i32
    return %get3A_4, %c0_i32, %c0_i32_5 : i32, i32, i32
  }
  func.func @transform_15(%arg0: i32, %arg1: memref<512xi32, #tpu.memory_space<smem>>) -> (i32, i32, i32) {
    %mul3A = arith.constant 8 : i32
    %mul3A_0 = arith.muli %arg0, %mul3A : i32
    %add3A = arith.constant 256 : i32
    %add3A_1 = arith.addi %add3A, %mul3A_0 : i32
    %add3A_2 = arith.constant 7 : i32
    %add3A_3 = arith.addi %add3A_1, %add3A_2 : i32
    %get3A = arith.index_cast %add3A_3 : i32 to index
    %get3A_4 = memref.load %arg1[%get3A] : memref<512xi32, #tpu.memory_space<smem>>
    %c0_i32 = arith.constant 0 : i32
    %c0_i32_5 = arith.constant 0 : i32
    %c0_i32_6 = arith.constant 0 : i32
    return %get3A_4, %c0_i32, %c0_i32_5 : i32, i32, i32
  }
  func.func @transform_16(%arg0: i32, %arg1: memref<512xi32, #tpu.memory_space<smem>>) -> (i32, i32) {
    %c0_i32 = arith.constant 0 : i32
    %c0_i32_0 = arith.constant 0 : i32
    %c0_i32_1 = arith.constant 0 : i32
    return %c0_i32, %c0_i32_0 : i32, i32
  }
  func.func @transform_17(%arg0: i32, %arg1: memref<512xi32, #tpu.memory_space<smem>>) -> (i32, i32) {
    %c0_i32 = arith.constant 0 : i32
    %c0_i32_0 = arith.constant 0 : i32
    %c0_i32_1 = arith.constant 0 : i32
    return %c0_i32, %c0_i32_0 : i32, i32
  }
  func.func @transform_18(%arg0: i32, %arg1: memref<512xi32, #tpu.memory_space<smem>>) -> (i32, i32) {
    %c0_i32 = arith.constant 0 : i32
    %c0_i32_0 = arith.constant 0 : i32
    %c0_i32_1 = arith.constant 0 : i32
    return %c0_i32, %c0_i32_0 : i32, i32
  }
  func.func @transform_19(%arg0: i32, %arg1: memref<512xi32, #tpu.memory_space<smem>>) -> (i32, i32) {
    %c0_i32 = arith.constant 0 : i32
    %c0_i32_0 = arith.constant 0 : i32
    %c0_i32_1 = arith.constant 0 : i32
    return %c0_i32, %c0_i32_0 : i32, i32
  }
  func.func @transform_20(%arg0: i32, %arg1: memref<512xi32, #tpu.memory_space<smem>>) -> (i32, i32) {
    %c0_i32 = arith.constant 0 : i32
    %c0_i32_0 = arith.constant 0 : i32
    %c0_i32_1 = arith.constant 0 : i32
    return %c0_i32, %c0_i32_0 : i32, i32
  }
  func.func @transform_21(%arg0: i32, %arg1: memref<512xi32, #tpu.memory_space<smem>>) -> (i32, i32) {
    %c0_i32 = arith.constant 0 : i32
    %c0_i32_0 = arith.constant 0 : i32
    %c0_i32_1 = arith.constant 0 : i32
    return %c0_i32, %c0_i32_0 : i32, i32
  }
  func.func @transform_22(%arg0: i32, %arg1: memref<512xi32, #tpu.memory_space<smem>>) -> (i32, i32) {
    %c0_i32 = arith.constant 0 : i32
    %c0_i32_0 = arith.constant 0 : i32
    %c0_i32_1 = arith.constant 0 : i32
    return %c0_i32, %c0_i32_0 : i32, i32
  }
  func.func @transform_23(%arg0: i32, %arg1: memref<512xi32, #tpu.memory_space<smem>>) -> (i32, i32) {
    %c0_i32 = arith.constant 0 : i32
    %c0_i32_0 = arith.constant 0 : i32
    %c0_i32_1 = arith.constant 0 : i32
    return %c0_i32, %c0_i32_0 : i32, i32
  }
  func.func @transform_24(%arg0: i32, %arg1: memref<512xi32, #tpu.memory_space<smem>>) -> (i32, i32, i32) {
    %c0_i32 = arith.constant 0 : i32
    %c0_i32_0 = arith.constant 0 : i32
    %c0_i32_1 = arith.constant 0 : i32
    return %arg0, %c0_i32, %c0_i32_0 : i32, i32, i32
  }
  func.func @transform_25(%arg0: i32, %arg1: memref<512xi32, #tpu.memory_space<smem>>) -> (i32, i32, i32) {
    %c0_i32 = arith.constant 0 : i32
    %c0_i32_0 = arith.constant 0 : i32
    %c0_i32_1 = arith.constant 0 : i32
    return %arg0, %c0_i32, %c0_i32_0 : i32, i32, i32
  }
}

</mosaic_0001>

<sc_bundles>
// kernel: kernel.5.cloned.1.call-start
scs
__scs_entry_jumppad:
0x0: {  	(pc) =	sbr.rel $0x88, $3  }
0x1: {  	(tag) =	ssettag $0x0;
	lr =	simm.s32 $0x1  }
0x2: {  	[smem:$0x3F9D] =	sst lr;
	_ =	strace $0xD0000000  }
0x3: {  	_ = 	snop  }
0x4: {  	_ = 	snop  }
0x5: {  	_ = 	snop  }
0x6: {  	_ = 	snop  }
0x7: {  	_ = 	snop  }
__scs_overlays_trampoline_lowered:
0x8: {  	[smem:$0x3FAC] =	sst s0  }
0x9: {  	[smem:$0x3FAD] =	sst s1  }
0xa: {  	[smem:$0x3FAE] =	sst s2  }
0xb: {  	[smem:$0x3FAF] =	sst s3  }
0xc: {  	[smem:$0x3FB0] =	sst s4  }
0xd: {  	[smem:$0x3FB1] =	sst s5  }
0xe: {  	[smem:$0x3FB2] =	sst s6  }
0xf: {  	[smem:$0x3FB3] =	sst s7  }
0x10: {  	[smem:$0x3FB4] =	sst s8  }
0x11: {  	[smem:$0x3FB5] =	sst s9;
	s0 =	simm.s32 @!p0 $0x0  }
0x12: {  	s1 =	sld [smem:$0x3F9B];
	s0 =	simm.s32 @p0 $0x1  }
0x13: {  	[smem:$0x3FB6] =	sst s0;
	s0 =	simm.s32 @!p1 $0x0  }
0x14: {  	s2 =	sld [smem:$0x3F9A];
	s0 =	simm.s32 @p1 $0x1  }
0x15: {  	[smem:$0x3FB7] =	sst s0;
	s0 =	simm.s32 @!p2 $0x0  }
0x16: {  	s3 =	sld [smem:$0x3FDB];
	s0 =	simm.s32 @p2 $0x1  }
0x17: {  	s4 =	simm.s32 $0x1BF5;
	[smem:$0x3FB9] =	sst s0  }
0x18: {  	s0 =	sld [smem:$0x3F9C];
	_ =	swait.ge [sflag:s4], $0x0  }
0x19: {  	s7 =	sld [smem:$0x3F9D]  }
0x1a: {  	s8 =	sadd.s32 $0xFFFFE003, lr  }
0x1b: {  	s9 =	sadd.s32 $0xFFFFFEF7, lr;
	s5 =	simm.s32 $0xFFFFFFFF;
	p2 =	slt.u32 s8, $0xFFFFF086  }
0x1c: {  	p1 =	slt.u32 s9, $0xF7A;
	s5 =	simm.s32 @!p2 $0x0  }
0x1d: {  	s5 =	simm.s32 @p1 $0x1;
	p0 =	seq.s32 s7, s2  }
0x1e: {  	s7 =	smul.u32 @!p0 $0xF7A, s2;
	p2 =	seq.s32 @!p0 s5, $0x0  }
0x1f: {  	s9 =	smul.u32 $0xF7A, s1;
	s8 =	simm.s32 @!p0 $0x1BF5;
	p2 =	por !p2, p0  }
0x20: {  	[sflag:s8] =	ssyncset.s32 @!p0 $0xFFFFF086;
	s6 =	sadd.s32 @!p0 s3, s7;
	s7 =	simm.s32 @!p0 $0x108  }
0x21: {  	s3 =	sadd.s32 s3, s9;
	s6 =	sadd.s32 @!p0 $0x88, s6;
	s7 =	simm.s32 @p2 $0x1082  }
0x22: {  	[simem:s7], [sflag:s8] =	dma.local @!p0 [hbm:s6], $0xF7A  }
0x23: {  	s9 =	sor.u32 $0xD0000000, s2;
	s6 =	simm.s32 $0x108;
	_ =	swait.ge @!p0 [sflag:s8], $0x0  }
0x24: {  	s3 =	sadd.s32 $0x88, s3;
	s6 =	simm.s32 @!p1 $0x1082;
	[sflag:s4] =	ssyncset.s32 $0xFFFFF086  }
0x25: {  	[simem:s6], [sflag:s4] =	dma.local [hbm:s3], $0xF7A  }
0x26: {  	[smem:$0x3F9D] =	sst s1;
	(tag) =	ssettag s2;
	_ =	strace s9  }
0x27: {  	s1 =	sld [smem:$0x3FAD]  }
0x28: {  	s2 =	sld [smem:$0x3FAE]  }
0x29: {  	s4 =	sld [smem:$0x3FB0]  }
0x2a: {  	p0 =	seq.s32 s5, $0x0;
	s5 =	sld [smem:$0x3FB1]  }
0x2b: {  	s6 =	sld [smem:$0x3FB2]  }
0x2c: {  	s7 =	sld [smem:$0x3FB3]  }
0x2d: {  	s3 =	simm.s32 $0x108;
	s8 =	sld [smem:$0x3FB4]  }
0x2e: {  	s3 =	simm.s32 @!p0 $0x1082;
	s9 =	sld [smem:$0x3FB5]  }
0x2f: {  	lr =	sadd.s32 s0, s3;
	s0 =	sld [smem:$0x3FAC]  }
0x30: {  	s3 =	sld [smem:$0x3FAF]  }
0x31: {  	[smem:$0x3FB8] =	sst s10  }
0x32: {  	s10 =	sld [smem:$0x3FB6];
	_ =	sdelay $0x3  }
0x33: {  	p0 =	seq.s32 s10, $0x1;
	s10 =	sld [smem:$0x3FB8];
	_ =	sdelay $0x3  }
0x34: {  	[smem:$0x3FB8] =	sst s10  }
0x35: {  	s10 =	sld [smem:$0x3FB7];
	_ =	sdelay $0x3  }
0x36: {  	p1 =	seq.s32 s10, $0x1;
	s10 =	sld [smem:$0x3FB8];
	_ =	sdelay $0x3  }
0x37: {  	[smem:$0x3FB8] =	sst s10  }
0x38: {  	s10 =	sld [smem:$0x3FB9]  }
0x39: {  	_ = 	snop;
	(pc) =	sbr.ind lr, $3  }
0x3a: {  	_ = 	snop  }
0x3b: {  	_ = 	snop  }
0x3c: {  	p2 =	seq.s32 s10, $0x1;
	s10 =	sld [smem:$0x3FB8]  }
0x3d: {  	_ =	shalt  }
0x3e: {  	_ =	shalt  }
0x3f: {  	_ =	shalt  }
0x40: {  	_ =	shalt  }
0x41: {  	_ =	shalt  }
0x42: {  	_ =	shalt  }
0x43: {  	_ =	shalt  }
0x44: {  	_ =	shalt  }
0x45: {  	_ =	shalt  }
0x46: {  	_ =	shalt  }
0x47: {  	_ =	shalt  }
0x48: {  	_ =	shalt  }
0x49: {  	_ =	shalt  }
0x4a: {  	_ =	shalt  }
0x4b: {  	_ =	shalt  }
0x4c: {  	_ =	shalt  }
0x4d: {  	_ =	shalt  }
0x4e: {  	_ =	shalt  }
0x4f: {  	_ =	shalt  }
0x50: {  	_ =	shalt  }
0x51: {  	_ =	shalt  }
0x52: {  	_ =	shalt  }
0x53: {  	_ =	shalt  }
0x54: {  	_ =	shalt  }
0x55: {  	_ =	shalt  }
0x56: {  	_ =	shalt  }
0x57: {  	_ =	shalt  }
0x58: {  	_ =	shalt  }
0x59: {  	_ =	shalt  }
0x5a: {  	_ =	shalt  }
0x5b: {  	_ =	shalt  }
0x5c: {  	_ =	shalt  }
0x5d: {  	_ =	shalt  }
0x5e: {  	_ =	shalt  }
0x5f: {  	_ =	shalt  }
0x60: {  	_ =	shalt  }
0x61: {  	_ =	shalt  }
0x62: {  	_ =	shalt  }
0x63: {  	_ =	shalt  }
0x64: {  	_ =	shalt  }
0x65: {  	_ =	shalt  }
0x66: {  	_ =	shalt  }
0x67: {  	_ =	shalt  }
0x68: {  	_ =	shalt  }
0x69: {  	_ =	shalt  }
0x6a: {  	_ =	shalt  }
0x6b: {  	_ =	shalt  }
0x6c: {  	_ =	shalt  }
0x6d: {  	_ =	shalt  }
0x6e: {  	_ =	shalt  }
0x6f: {  	_ =	shalt  }
0x70: {  	_ =	shalt  }
0x71: {  	_ =	shalt  }
0x72: {  	_ =	shalt  }
0x73: {  	_ =	shalt  }
0x74: {  	_ =	shalt  }
0x75: {  	_ =	shalt  }
0x76: {  	_ =	shalt  }
0x77: {  	_ =	shalt  }
0x78: {  	_ =	shalt  }
0x79: {  	_ =	shalt  }
0x7a: {  	_ =	shalt  }
0x7b: {  	_ =	shalt  }
0x7c: {  	_ =	shalt  }
0x7d: {  	_ =	shalt  }
0x7e: {  	_ =	shalt  }
0x7f: {  	_ =	shalt  }
0x80: {  	_ =	shalt  }
0x81: {  	_ =	shalt  }
0x82: {  	_ =	shalt  }
0x83: {  	_ =	shalt  }
0x84: {  	_ =	shalt  }
0x85: {  	_ =	shalt  }
0x86: {  	_ =	shalt  }
0x87: {  	_ =	shalt  }
.Lfunc_end0:
.L_simem_size_0:
called_computation.1_lowered:
.L_overlay_start_0:
0x88: {  	s2 =	sld [smem:$0x3FD9]  }
0x89: {  	s3 =	sld [smem:$0x3FFE];
	_ =	sdelay $0x1  }
0x8a: {  	s1 =	srdreg.scid  }
0x8b: {  	s0 =	sand.u32 $0x1, s1  }
0x8c: {  	s17 =	sshll.u32 s0, $0xA;
	s2 =	sadd.s32 s3, s2  }
0x8d: {  	s2 =	sadd.s32 s2, s17  }
0x8e: {  	[smem:$0x3FC4] =	sst s2  }
0x8f: {  	_ = 	snop  }
0x90: {  	s2 =	sld [smem:$0x3FD0];
	(tm) =	ssettm $0x1  }
0x91: {  	s18 =	sld [smem:$0x3FFB];
	_ =	sdelay $0x3  }
0x92: {  	_ =	strace s18  }
0x93: {  	s3 =	sld [smem:$0x3FFC];
	_ =	sdelay $0x3  }
0x94: {  	_ =	strace s3  }
0x95: {  	s3 =	sld [smem:$0x3FFD];
	_ =	sdelay $0x3  }
0x96: {  	_ =	strace s3  }
0x97: {  	_ =	strace $0x8FFFFFFF  }
0x98: {  	s19 =	sld [smem:$0x3FDB];
	_ =	sdelay $0x1  }
0x99: {  	s4 =	simm.s32 $_scs_section_size  }
0x9a: {  	s5 =	simm.s32 $_size__tile_overlayer_lowered;
	s6 =	simm.s32 $_tile_overlayer_lowered  }
0x9b: {  	s22 =	simm.s32 $0x1BFF;
	s21 =	sshll.u32 s6, $0x1;
	s3 =	sadd.s32 s4, s19  }
0x9c: {  	s7 =	simm.s32 $0x0;
	s20 =	sshll.u32 s5, $0x1;
	s5 =	sadd.s32 s21, s3  }
0x9d: {  	[timem:s7], [sflag:s22] =	dma.local [hbm:s5], s20  }
0x9e: {  	_ =	swait.ge [sflag:s22], s20  }
0x9f: {  	s4 =	ssub.s32 $0x0, s20;
	[sflag:s22] =	ssyncset.done $0x0  }
0xa0: {  	[sflag:s22] =	ssyncadd.s32 s4;
	_ =	sdelay $0x1  }
0xa1: {  	s23 =	simm.s32 $0x1B8B  }
0xa2: {  	_ =	swait.ge [sflag:s23], $0x1  }
0xa3: {  	[sflag:s23] =	ssyncset.done $0x0  }
0xa4: {  	s25 =	simm.s32 $0x1B8E;
	s24 =	sld [smem:$0x3FFE];
	[sflag:s23] =	ssyncadd.s32 $0xFFFFFFFF  }
0xa5: {  	s26 =	simm.s32 $execute0_lowered;
	[smem:$0x3FD2] =	sst s25  }
0xa6: {  	s5 =	sshll.u32 s26, $0x1;
	_ =	strace $0x80000046;
	[dreg:$0x1] =	wrdreg $0xFFFFFFFF  }
0xa7: {  	s28 =	simm.s32 $_size_execute0_lowered;
	s3 =	sadd.s32 s3, s5;
	[dreg:$0x0] =	wrdreg $0x0  }
0xa8: {  	s5 =	sshll.u32 s28, $0x1;
	[dreg:$0x2] =	wrdreg s3  }
0xa9: {  	[dreg:$0x3] =	wrdreg s5  }
0xaa: {  	[dreg:$0x4] =	wrdreg $0xC0  }
0xab: {  	_ =	task [dreg:s7], $0x5FFFF  }
0xac: {  	[dreg:$0x1] =	wrdreg $0xFFFFFFFF  }
0xad: {  	[dreg:$0x0] =	wrdreg $0x60  }
0xae: {  	[dreg:$0x2] =	wrdreg s2  }
0xaf: {  	[dreg:$0x3] =	wrdreg s24  }
0xb0: {  	[dreg:$0x4] =	wrdreg $0xA  }
0xb1: {  	_ =	task.clear_ibuf [dreg:s7], $0x5FFFF;
	_ =	strace $0x90000046  }
0xb2: {  	s29 =	simm.s32 $0xA;
	_ =	strace $0x80000048  }
0xb3: {  	_ =	swait.ge [sflag:s29], $0x1  }
0xb4: {  	[sflag:s29] =	ssyncadd.s32 $0xFFFFFFFF  }
0xb5: {  	_ =	strace $0x90000048  }
0xb6: {  	_ =	sfence  }
0xb7: {  	s30 =	sld [smem:$0x0];
	_ =	sdelay $0x2  }
0xb8: {  	s31 =	sshll.u32 s1, $0xD;
	s1 =	sshrl.u32 s1, $0x2  }
0xb9: {  	s3 =	sand.u32 $0x4000, s31;
	s1 =	sadd.s32 s1, s30  }
0xba: {  	s0 =	sor.u32 s3, s0;
	s1 =	sshll.u32 s1, $0x11  }
0xbb: {  	s0 =	sor.u32 s1, s0  }
0xbc: {  	s0 =	sadd.s32 $0x8F2B, s0  }
0xbd: {  	[sflag:s0] =	ssyncadd.remote.s32 $0x1  }
0xbe: {  	_ =	sfence.sel $0xFFFF  }
0xbf: {  	[dreg:$0x0] =	wrdreg $0xFFFFFFFF;
	(pc) =	sbr.abs _section_cstart, $3  }
0xc0: {  	[dreg:$0x1] =	wrdreg $0xFFFFFFFF  }
0xc1: {  	_ =	task.clear_ibuf [dreg:s7], $0x2FFFF;
	_ =	strace $0x9FFFFFFF  }
0xc2: {  	(tm) =	ssettm $0x7FFFFFFF  }
0xc3: {  	_ =	shalt  }
tec
execute0_lowered:
.L_overlay_start_1:
0x0: {  	(tag) =	ssettag $0x1  }
0x1: {  	s9 =	rddreg [dreg:$0x0]  }
0x2: {  	s6 =	rddreg [dreg:$0x1]  }
0x3: {  	s0 =	rddreg [dreg:$0x2]  }
0x4: {  	s1 =	simm.s32 $0x0;
	s7 =	srdreg.scid;
	s2 =	stileid.u32  }
0x5: {  	s15 =	simm.s32 $0xC80;
	s16 =	simm.s32 $0xD00;
	s17 =	simm.s32 $0x0  }
0x6: {  	[smem:$0x7FF] =	sst s1;
	s3 =	sadd.s32 $0x2A00, s6;
	s4 =	sadd.s32 $0x2800, s6  }
0x7: {  	s5 =	sadd.s32 $0x2600, s6;
	s7 =	sand.u32 $0x1, s7;
	s10 =	sshll.u32 s2, $0x6  }
0x8: {  	s11 =	sadd.s32 $0x2C00, s6;
	s8 =	ssub.s32 $0x2, s7;
	s7 =	sshll.u32 s7, $0x5  }
0x9: {  	s13 =	sadd.s32 $0x3000, s6;
	s12 =	sshrl.u32 s8, $0x1;
	s10 =	sor.u32 s7, s10  }
0xa: {  	_ =	strace $0x80000047;
	s12 =	ssub.s32 s8, s12;
	s6 =	sadd.s32 s9, s10  }
0xb: {  	s7 =	sadd.s32 s11, s10;
	s8 =	sadd.s32 s13, s10;
	s14 =	sor.u32 $0x10, s10  }
0xc: {  	s9 =	sadd.s32 s9, s14;
	s10 =	sadd.s32 s11, s14;
	s11 =	sadd.s32 s13, s14  }
0xd: {  	v0 =	vlaneseq.u32;
	s12 =	smax.u32 s12, $0x1;
	s13 =	simm.s32 $0x1;
	s14 =	simm.s32 $0xC00  }
.LBB2_1:
0xe: {  	[tilespmem:s1], [sflag:$0x1] =	stream.linear.gather [hbm4b:s3+s1], $0x400, $0x38;
	[tilespmem:$0xD80] =	vst v63  }
0xf: {  	_ =	swait.ge [sflag:s13], $0x400  }
0x10: {  	[sflag:s13] =	ssyncset.done $0x0  }
0x11: {  	s18 =	simm.s32 $0x400;
	[sflag:s13] =	ssyncadd.s32 $0xFFFFFC00  }
0x12: {  	[tilespmem:s18], [sflag:$0x1] =	stream.linear.gather [hbm4b:s4+s1], $0x400, $0x38;
	[tilespmem:$0xD80] =	vst v63  }
0x13: {  	_ =	swait.ge [sflag:s13], $0x400  }
0x14: {  	[sflag:s13] =	ssyncset.done $0x0  }
0x15: {  	s19 =	simm.s32 $0x800;
	[sflag:s13] =	ssyncadd.s32 $0xFFFFFC00  }
0x16: {  	[tilespmem:s19], [sflag:$0x1] =	stream.linear.gather [hbm4b:s5+s1], $0x400, $0x38;
	[tilespmem:$0xD80] =	vst v63  }
0x17: {  	_ =	swait.ge [sflag:s13], $0x400  }
0x18: {  	[sflag:s13] =	ssyncset.done $0x0  }
0x19: {  	[sflag:s13] =	ssyncadd.s32 $0xFFFFFC00  }
0x1a: {  	[tilespmem:s14], [sflag:$0x1] =	stream.linear.gather [hbm4b:s6+s1], $0x80, $0x38;
	[tilespmem:$0xD80] =	vst v63  }
0x1b: {  	_ =	swait.ge [sflag:s13], $0x80  }
0x1c: {  	[sflag:s13] =	ssyncset.done $0x0  }
0x1d: {  	[sflag:s13] =	ssyncadd.s32 $0xFFFFFF80  }
0x1e: {  	v2 =	vld [tilespmem:$0xC00]  }
0x1f: {  	v3 =	vld [tilespmem:$0xC10]  }
0x20: {  	v1 =	vld [tilespmem:s18+$0x0]  }
0x21: {  	v5 =	vld [tilespmem:s1+$0x0]  }
0x22: {  	v4 =	vld [tilespmem:$0xC20]  }
0x23: {  	v6 =	vld [tilespmem:s19+$0x0];
	_ =	sdelay $0x2  }
0x24: {  	v1 =	vsub.f32 v1, v3;
	v5 =	vsub.f32 v5, v2  }
0x25: {  	s30 =	simm.s32 $0x410  }
0x26: {  	s31 =	simm.s32 $0x810;
	v7 =	vld [tilespmem:s30+$0x0];
	v6 =	vsub.f32 v6, v4;
	v1 =	vmul.f32 v1, v1;
	v5 =	vmul.f32 v5, v5  }
0x27: {  	v8 =	vld [tilespmem:s31+$0x0]  }
0x28: {  	s18 =	simm.s32 $0x10;
	v1 =	vadd.f32 v1, v5;
	v5 =	vmul.f32 v6, v6  }
0x29: {  	v9 =	vld [tilespmem:s18+$0x0]  }
0x2a: {  	v6 =	vadd.f32 v5, v1  }
0x2b: {  	v10 =	vor.u32 s1, v0;
	v1 =	vimm.f32 $+Inf  }
0x2c: {  	v7 =	vsub.f32 v7, v3;
	v8 =	vsub.f32 v8, v4;
	vm0 =	vlt.f32 v6, v1  }
0x2d: {  	v5 =	vimm.s32 $0x40000000;
	v11 =	vsel vm0, v1, v6;
	v14 =	vsel vm0, v6, v1  }
0x2e: {  	v15 =	vsel vm0, v10, v5;
	v6 =	vsel vm0, v5, v10;
	v10 =	vsub.f32 v9, v2  }
0x2f: {  	v17 =	vmul.f32 v7, v7;
	v8 =	vmul.f32 v8, v8;
	vm1 =	vlt.f32 v11, v1  }
0x30: {  	v12 =	vsel vm1, v11, v1;
	v11 =	vsel vm1, v1, v11;
	v18 =	vmul.f32 v10, v10  }
0x31: {  	v16 =	vsel vm1, v5, v6;
	v13 =	vsel vm1, v6, v5;
	vm2 =	vlt.f32 v11, v1  }
0x32: {  	v6 =	vsel vm2, v1, v11;
	v7 =	vsel vm2, v5, v16;
	v18 =	vadd.f32 v17, v18  }
0x33: {  	v19 =	vsel vm2, v11, v1;
	v17 =	vsel vm2, v16, v5;
	vm1 =	vlt.f32 v6, v1  }
0x34: {  	v16 =	vimm.f32 $+Inf;
	v9 =	vsel vm1, v6, v1;
	v6 =	vsel vm1, v1, v6  }
0x35: {  	v23 =	vsel vm1, v5, v7;
	v10 =	vsel vm1, v7, v5;
	vm0 =	vlt.f32 v6, v1  }
0x36: {  	v25 =	vadd.f32 v8, v18;
	v7 =	vsel vm0, v6, v1;
	v6 =	vsel vm0, v1, v6  }
0x37: {  	v18 =	vimm.s32 $0x40000000;
	v20 =	vsel vm0, v5, v23;
	vm1 =	vlt.f32 v6, v1  }
0x38: {  	v8 =	vimm.s32 $0x40000000;
	v26 =	vsel vm1, v1, v6;
	v22 =	vsel vm1, v5, v20  }
0x39: {  	s20 =	simm.s32 $0x20;
	v11 =	vsel vm1, v6, v1;
	v6 =	vsel vm1, v20, v5;
	vm1 =	vlt.f32 v26, v1  }
0x3a: {  	s21 =	simm.s32 $0x420;
	s22 =	simm.s32 $0x820;
	s19 =	simm.s32 $0x20;
	vm2 =	vlt.f32 v25, v14;
	v20 =	vmovc v15;
	v24 =	vsel vm1, v1, v26;
	v21 =	vsel vm1, v5, v22  }
.LBB2_2:
0x3b: {  	v27 =	vld [tilespmem:s21+$0x0];
	p0 =	sne.s32 s19, $0x3F0;
	v5 =	vsel vm0, v23, v5;
	v1 =	vsel vm1, v26, v1;
	vm0 =	vlt.f32 v24, v16;
	s23 =	smov.u32 s19;
	s19 =	sadd.s32 $0x10, s19  }
0x3c: {  	v18 =	vsel vm1, v22, v18;
	v23 =	vld [tilespmem:s22+$0x0];
	v16 =	vsel vm0, v24, v16;
	v8 =	vsel vm0, v21, v8  }
0x3d: {  	v22 =	vor.u32 s18, v0;
	v24 =	vsel vm2, v14, v25;
	s18 =	smov.u32 s23;
	v21 =	vld [tilespmem:s20+$0x0]  }
0x3e: {  	v14 =	vsel vm2, v25, v14;
	v15 =	vsel vm2, v22, v15;
	vm0 =	vlt.f32 v24, v12  }
0x3f: {  	v22 =	vsel vm2, v20, v22;
	v20 =	vmovc v15;
	v25 =	vsel vm0, v12, v24;
	v12 =	vsel vm0, v24, v12  }
0x40: {  	v26 =	vsel vm0, v13, v22;
	vm1 =	vlt.f32 v25, v19;
	v24 =	vsub.f32 v27, v3  }
0x41: {  	v13 =	vsel vm0, v22, v13;
	v22 =	vsel vm1, v19, v25;
	v27 =	vsub.f32 v23, v4  }
0x42: {  	vm2 =	vlt.f32 v22, v9;
	v21 =	vsub.f32 v21, v2;
	v24 =	vmul.f32 v24, v24  }
0x43: {  	v28 =	vsel vm1, v17, v26;
	v29 =	vsel vm2, v9, v22;
	v9 =	vsel vm2, v22, v9  }
0x44: {  	v23 =	vsel vm2, v10, v28;
	vm0 =	vlt.f32 v29, v7;
	v21 =	vmul.f32 v21, v21  }
0x45: {  	v10 =	vsel vm2, v28, v10;
	v28 =	vsel vm0, v7, v29;
	v7 =	vsel vm0, v29, v7  }
.Ltmp0:
0x46: {  	v22 =	vmul.f32 v27, v27;
	v21 =	vadd.f32 v24, v21;
	v24 =	vsel vm0, v5, v23;
	(pc) =	sbr.rel @p0 .LBB2_2-.Ltmp0, $4  }
0x47: {  	v19 =	vsel vm1, v25, v19;
	v17 =	vsel vm1, v26, v17;
	vm1 =	vlt.f32 v28, v11  }
0x48: {  	v26 =	vsel vm1, v11, v28;
	v25 =	vadd.f32 v22, v21;
	v22 =	vsel vm1, v6, v24  }
0x49: {  	v11 =	vsel vm1, v28, v11;
	v6 =	vsel vm1, v24, v6;
	vm1 =	vlt.f32 v26, v1  }
0x4a: {  	s21 =	sadd.s32 $0x10, s21;
	s22 =	sadd.s32 $0x10, s22;
	s20 =	sadd.s32 $0x10, s20;
	v24 =	vsel vm1, v1, v26;
	v21 =	vsel vm1, v18, v22;
	vm2 =	vlt.f32 v25, v14  }
0x4b: {  	v2 =	vor.u32 s18, v0;
	v3 =	vsel vm2, v14, v25;
	v4 =	vsel vm2, v25, v14  }
0x4c: {  	v14 =	vsel vm2, v2, v15;
	vm3 =	vlt.f32 v3, v12;
	[tilespmem:$0xC80] =	vst v4  }
0x4d: {  	v2 =	vsel vm2, v20, v2;
	v4 =	vsel vm3, v3, v12;
	v3 =	vsel vm3, v12, v3;
	[tilespmem:$0xD00] =	vst v14  }
0x4e: {  	v5 =	vsel vm0, v23, v5;
	v12 =	vsel vm3, v2, v13;
	vm0 =	vlt.f32 v3, v19;
	[tilespmem:$0xC90] =	vst v4  }
0x4f: {  	v2 =	vsel vm3, v13, v2;
	[tilespmem:$0xD10] =	vst v12;
	v4 =	vsel vm0, v19, v3;
	v3 =	vsel vm0, v3, v19  }
0x50: {  	v1 =	vsel vm1, v26, v1;
	v12 =	vsel vm0, v2, v17;
	vm2 =	vlt.f32 v4, v9;
	[tilespmem:$0xCA0] =	vst v3  }
0x51: {  	v2 =	vsel vm0, v17, v2;
	[tilespmem:$0xD20] =	vst v12;
	v3 =	vsel vm2, v4, v9;
	v4 =	vsel vm2, v9, v4  }
0x52: {  	v9 =	vsel vm2, v10, v2;
	v2 =	vsel vm2, v2, v10;
	vm0 =	vlt.f32 v4, v7;
	[tilespmem:$0xCB0] =	vst v3  }
0x53: {  	vm2 =	vlt.f32 v24, v16;
	[tilespmem:$0xD30] =	vst v2;
	v3 =	vsel vm0, v4, v7;
	v4 =	vsel vm0, v7, v4  }
0x54: {  	v2 =	vsel vm1, v22, v18;
	v7 =	vsel vm0, v9, v5;
	vm1 =	vlt.f32 v4, v11;
	[tilespmem:$0xCC0] =	vst v3  }
0x55: {  	v3 =	vsel vm0, v5, v9;
	[tilespmem:$0xD40] =	vst v7;
	v5 =	vsel vm1, v11, v4;
	v4 =	vsel vm1, v4, v11  }
0x56: {  	v7 =	vsel vm2, v24, v16;
	v9 =	vsel vm1, v3, v6;
	vm0 =	vlt.f32 v5, v1;
	[tilespmem:$0xCD0] =	vst v4  }
0x57: {  	v3 =	vsel vm1, v6, v3;
	[tilespmem:$0xD50] =	vst v9;
	v4 =	vsel vm0, v1, v5;
	v1 =	vsel vm0, v5, v1  }
0x58: {  	v5 =	vsel vm0, v3, v2;
	vm1 =	vlt.f32 v4, v7;
	[tilespmem:$0xCE0] =	vst v1  }
0x59: {  	v2 =	vsel vm0, v2, v3;
	v1 =	vsel vm2, v21, v8;
	[tilespmem:$0xD60] =	vst v5;
	v3 =	vsel vm1, v4, v7  }
0x5a: {  	v1 =	vsel vm1, v2, v1;
	[tilespmem:$0xCF0] =	vst v3  }
0x5b: {  	s19 =	simm.s32 $0x0;
	[tilespmem:$0xD70] =	vst v1  }
0x5c: {  	[hbm4b:s7+s19] =	stream.linear.scatter [tilespmem:s15], [sflag:$0x1], $0x80, $0x38;
	[tilespmem:$0xD80] =	vst v63  }
0x5d: {  	_ =	swait.ge [sflag:s13], $0x80  }
0x5e: {  	[sflag:s13] =	ssyncset.done $0x0  }
0x5f: {  	[sflag:s13] =	ssyncadd.s32 $0xFFFFFF80  }
0x60: {  	[hbm4b:s8+s19] =	stream.linear.scatter [tilespmem:s16], [sflag:$0x1], $0x80, $0x38;
	[tilespmem:$0xD80] =	vst v63  }
0x61: {  	_ =	swait.ge [sflag:s13], $0x80  }
0x62: {  	[sflag:s13] =	ssyncset.done $0x0  }
0x63: {  	[sflag:s13] =	ssyncadd.s32 $0xFFFFFF80  }
0x64: {  	[tilespmem:s14], [sflag:$0x1] =	stream.linear.gather [hbm4b:s9+s19], $0x80, $0x38;
	[tilespmem:$0xD80] =	vst v63  }
0x65: {  	_ =	swait.ge [sflag:s13], $0x80  }
0x66: {  	[sflag:s13] =	ssyncset.done $0x0  }
0x67: {  	[sflag:s13] =	ssyncadd.s32 $0xFFFFFF80  }
0x68: {  	v2 =	vld [tilespmem:$0xC00]  }
0x69: {  	s29 =	simm.s32 $0x400;
	v3 =	vld [tilespmem:$0xC10]  }
0x6a: {  	v1 =	vld [tilespmem:s29+$0x0]  }
0x6b: {  	v5 =	vld [tilespmem:s19+$0x0]  }
0x6c: {  	s30 =	simm.s32 $0x800;
	v4 =	vld [tilespmem:$0xC20]  }
0x6d: {  	v6 =	vld [tilespmem:s30+$0x0];
	_ =	sdelay $0x2  }
0x6e: {  	v1 =	vsub.f32 v1, v3;
	v5 =	vsub.f32 v5, v2  }
0x6f: {  	s31 =	simm.s32 $0x410  }
0x70: {  	s20 =	simm.s32 $0x810;
	v7 =	vld [tilespmem:s31+$0x0];
	v6 =	vsub.f32 v6, v4;
	v1 =	vmul.f32 v1, v1;
	v5 =	vmul.f32 v5, v5  }
0x71: {  	v8 =	vld [tilespmem:s20+$0x0]  }
0x72: {  	s18 =	simm.s32 $0x10;
	v1 =	vadd.f32 v1, v5;
	v5 =	vmul.f32 v6, v6  }
0x73: {  	v9 =	vld [tilespmem:s18+$0x0]  }
0x74: {  	v6 =	vadd.f32 v5, v1  }
0x75: {  	v10 =	vor.u32 s19, v0;
	v1 =	vimm.f32 $+Inf  }
0x76: {  	v7 =	vsub.f32 v7, v3;
	v8 =	vsub.f32 v8, v4;
	vm0 =	vlt.f32 v6, v1  }
0x77: {  	v5 =	vimm.s32 $0x40000000;
	v11 =	vsel vm0, v1, v6;
	v15 =	vsel vm0, v6, v1  }
0x78: {  	v14 =	vsel vm0, v10, v5;
	v6 =	vsel vm0, v5, v10;
	v10 =	vsub.f32 v9, v2  }
0x79: {  	v17 =	vmul.f32 v7, v7;
	v8 =	vmul.f32 v8, v8;
	vm1 =	vlt.f32 v11, v1  }
0x7a: {  	v12 =	vsel vm1, v11, v1;
	v11 =	vsel vm1, v1, v11;
	v18 =	vmul.f32 v10, v10  }
0x7b: {  	v16 =	vsel vm1, v5, v6;
	v13 =	vsel vm1, v6, v5;
	vm2 =	vlt.f32 v11, v1  }
0x7c: {  	v6 =	vsel vm2, v1, v11;
	v7 =	vsel vm2, v5, v16;
	v18 =	vadd.f32 v17, v18  }
0x7d: {  	v19 =	vsel vm2, v11, v1;
	v17 =	vsel vm2, v16, v5;
	vm1 =	vlt.f32 v6, v1  }
0x7e: {  	v16 =	vimm.f32 $+Inf;
	v9 =	vsel vm1, v6, v1;
	v6 =	vsel vm1, v1, v6  }
0x7f: {  	v23 =	vsel vm1, v5, v7;
	v10 =	vsel vm1, v7, v5;
	vm0 =	vlt.f32 v6, v1  }
0x80: {  	v26 =	vadd.f32 v8, v18;
	v7 =	vsel vm0, v6, v1;
	v6 =	vsel vm0, v1, v6  }
0x81: {  	v18 =	vimm.s32 $0x40000000;
	v20 =	vsel vm0, v5, v23;
	vm1 =	vlt.f32 v6, v1  }
0x82: {  	v8 =	vimm.s32 $0x40000000;
	v25 =	vsel vm1, v1, v6;
	v22 =	vsel vm1, v5, v20  }
0x83: {  	s21 =	simm.s32 $0x420;
	v11 =	vsel vm1, v6, v1;
	v6 =	vsel vm1, v20, v5;
	vm1 =	vlt.f32 v25, v1  }
0x84: {  	s22 =	simm.s32 $0x820;
	s19 =	simm.s32 $0x20;
	s20 =	simm.s32 $0x20;
	vm2 =	vlt.f32 v26, v15;
	v20 =	vmovc v14;
	v24 =	vsel vm1, v1, v25;
	v21 =	vsel vm1, v5, v22  }
.LBB2_4:
0x85: {  	v27 =	vld [tilespmem:s21+$0x0];
	p0 =	sne.s32 s19, $0x3F0;
	v5 =	vsel vm0, v23, v5;
	v1 =	vsel vm1, v25, v1;
	vm0 =	vlt.f32 v24, v16;
	s23 =	smov.u32 s19;
	s19 =	sadd.s32 $0x10, s19  }
0x86: {  	v18 =	vsel vm1, v22, v18;
	v23 =	vld [tilespmem:s22+$0x0];
	v16 =	vsel vm0, v24, v16;
	v8 =	vsel vm0, v21, v8  }
0x87: {  	v22 =	vor.u32 s18, v0;
	v24 =	vsel vm2, v15, v26;
	s18 =	smov.u32 s23;
	v21 =	vld [tilespmem:s20+$0x0]  }
0x88: {  	v15 =	vsel vm2, v26, v15;
	v14 =	vsel vm2, v22, v14;
	vm0 =	vlt.f32 v24, v12  }
0x89: {  	v22 =	vsel vm2, v20, v22;
	v20 =	vmovc v14;
	v25 =	vsel vm0, v12, v24;
	v12 =	vsel vm0, v24, v12  }
0x8a: {  	v26 =	vsel vm0, v13, v22;
	vm1 =	vlt.f32 v25, v19;
	v24 =	vsub.f32 v27, v3  }
0x8b: {  	v13 =	vsel vm0, v22, v13;
	v22 =	vsel vm1, v19, v25;
	v27 =	vsub.f32 v23, v4  }
0x8c: {  	vm2 =	vlt.f32 v22, v9;
	v21 =	vsub.f32 v21, v2;
	v24 =	vmul.f32 v24, v24  }
0x8d: {  	v28 =	vsel vm1, v17, v26;
	v29 =	vsel vm2, v9, v22;
	v9 =	vsel vm2, v22, v9  }
0x8e: {  	v23 =	vsel vm2, v10, v28;
	vm0 =	vlt.f32 v29, v7;
	v21 =	vmul.f32 v21, v21  }
0x8f: {  	v10 =	vsel vm2, v28, v10;
	v28 =	vsel vm0, v7, v29;
	v7 =	vsel vm0, v29, v7  }
.Ltmp1:
0x90: {  	v22 =	vmul.f32 v27, v27;
	v21 =	vadd.f32 v24, v21;
	v24 =	vsel vm0, v5, v23;
	(pc) =	sbr.rel @p0 .LBB2_4-.Ltmp1, $4  }
0x91: {  	v19 =	vsel vm1, v25, v19;
	v17 =	vsel vm1, v26, v17;
	vm1 =	vlt.f32 v28, v11  }
0x92: {  	v25 =	vsel vm1, v11, v28;
	v26 =	vadd.f32 v22, v21;
	v22 =	vsel vm1, v6, v24  }
0x93: {  	v11 =	vsel vm1, v28, v11;
	v6 =	vsel vm1, v24, v6;
	vm1 =	vlt.f32 v25, v1  }
0x94: {  	s21 =	sadd.s32 $0x10, s21;
	s22 =	sadd.s32 $0x10, s22;
	s20 =	sadd.s32 $0x10, s20;
	v24 =	vsel vm1, v1, v25;
	v21 =	vsel vm1, v18, v22;
	vm2 =	vlt.f32 v26, v15  }
0x95: {  	v2 =	vsel vm2, v15, v26;
	v3 =	vsel vm2, v26, v15;
	v4 =	vor.u32 s18, v0  }
0x96: {  	[tilespmem:$0xC80] =	vst v3;
	v3 =	vsel vm2, v4, v14;
	vm3 =	vlt.f32 v2, v12  }
0x97: {  	v4 =	vsel vm2, v20, v4;
	v49 =	vsel vm3, v2, v12;
	v2 =	vsel vm3, v12, v2;
	[tilespmem:$0xD00] =	vst v3  }
0x98: {  	v1 =	vsel vm1, v25, v1;
	v50 =	vsel vm3, v4, v13;
	vm9 =	vlt.f32 v2, v19;
	[tilespmem:$0xC90] =	vst v49  }
0x99: {  	v4 =	vsel vm3, v13, v4;
	[tilespmem:$0xD10] =	vst v50;
	v12 =	vsel vm9, v19, v2;
	v2 =	vsel vm9, v2, v19  }
0x9a: {  	vm12 =	vlt.f32 v24, v16;
	v51 =	vsel vm9, v4, v17;
	vm10 =	vlt.f32 v12, v9;
	[tilespmem:$0xCA0] =	vst v2  }
0x9b: {  	v2 =	vsel vm9, v17, v4;
	[tilespmem:$0xD20] =	vst v51;
	v52 =	vsel vm10, v12, v9;
	v53 =	vsel vm10, v9, v12  }
0x9c: {  	v54 =	vsel vm10, v10, v2;
	v2 =	vsel vm10, v2, v10;
	vm11 =	vlt.f32 v53, v7;
	[tilespmem:$0xCB0] =	vst v52  }
0x9d: {  	v3 =	vsel vm0, v23, v5;
	[tilespmem:$0xD30] =	vst v2;
	v55 =	vsel vm11, v53, v7;
	v56 =	vsel vm11, v7, v53  }
0x9e: {  	v60 =	vsel vm12, v24, v16;
	v57 =	vsel vm11, v54, v3;
	vm13 =	vlt.f32 v56, v11;
	[tilespmem:$0xCC0] =	vst v55  }
0x9f: {  	v3 =	vsel vm11, v3, v54;
	[tilespmem:$0xD40] =	vst v57;
	v58 =	vsel vm13, v11, v56;
	v59 =	vsel vm13, v56, v11  }
0xa0: {  	v2 =	vsel vm1, v22, v18;
	v61 =	vsel vm13, v3, v6;
	vm14 =	vlt.f32 v58, v1;
	[tilespmem:$0xCD0] =	vst v59  }
0xa1: {  	v3 =	vsel vm13, v6, v3;
	[tilespmem:$0xD50] =	vst v61;
	v62 =	vsel vm14, v1, v58;
	v1 =	vsel vm14, v58, v1  }
0xa2: {  	v63 =	vsel vm14, v3, v2;
	vm15 =	vlt.f32 v62, v60;
	[tilespmem:$0xCE0] =	vst v1  }
0xa3: {  	v2 =	vsel vm14, v2, v3;
	v1 =	vsel vm12, v21, v8;
	[tilespmem:$0xD60] =	vst v63;
	v3 =	vsel vm15, v62, v60  }
0xa4: {  	v1 =	vsel vm15, v2, v1;
	[tilespmem:$0xCF0] =	vst v3  }
0xa5: {  	[tilespmem:$0xD70] =	vst v1  }
0xa6: {  	[hbm4b:s10+s1] =	stream.linear.scatter [tilespmem:s15], [sflag:$0x1], $0x80, $0x38;
	[tilespmem:$0xD80] =	vst v63  }
0xa7: {  	s17 =	sadd.s32 $0x1, s17;
	_ =	swait.ge [sflag:s13], $0x80  }
0xa8: {  	p0 =	sne.s32 s17, s12;
	[sflag:s13] =	ssyncset.done $0x0  }
.Ltmp2:
0xa9: {  	[sflag:s13] =	ssyncadd.s32 $0xFFFFFF80;
	(pc) =	sbr.rel @p0 .LBB2_1-.Ltmp2, $4  }
0xaa: {  	[hbm4b:s11+s1] =	stream.linear.scatter [tilespmem:s16], [sflag:$0x1], $0x80, $0x38;
	[tilespmem:$0xD80] =	vst v63  }
0xab: {  	_ =	swait.ge [sflag:s13], $0x80  }
0xac: {  	[sflag:s13] =	ssyncset.done $0x0  }
0xad: {  	[sflag:s13] =	ssyncadd.s32 $0xFFFFFF80  }
0xae: {  	_ =	sfence.sel $0x180000  }
0xaf: {  	[bflag:$0x0] =	sbarrier.arrive $0xFFFF  }
0xb0: {  	p0 =	sne.s32 s2, $0x0;
	_ =	strace $0x90000047  }
0xb1: {  	s0 =	sadd.s32 @!p0 $0x100000, s0;
	[bflag:$0x2] =	sbarrier.arrive $0xFFFF  }
0xb2: {  	[sflag:s0] =	ssyncadd.tile.s32 @!p0 $0x1;
	_ =	shalt  }
.Lfunc_end2:
_tile_overlayer_lowered:
.L_overlay_start_2:
0xb3: {  	(tag) =	ssettag $0x2  }
0xb4: {  	s0 =	rddreg [dreg:$0x0];
	s2 =	stileid.u32  }
0xb5: {  	s1 =	rddreg [dreg:$0x1];
	p0 =	sne.s32 s2, $0x0  }
0xb6: {  	s3 =	rddreg [dreg:$0x2];
	[bflag:$0x3] =	sbarrier.arrive $0xFFFF;
	s2 =	simm.s32 @!p0 $0x1C01  }
0xb7: {  	[timem:s3], [sflag:s2] =	dma.local @!p0 [hbm:s0], s1  }
0xb8: {  	s0 =	simm.s32 @!p0 $0x1  }
0xb9: {  	_ =	swait.ge @!p0 [sflag:s0], s1  }
0xba: {  	s1 =	ssub.s32 @!p0 $0x0, s1;
	[sflag:s0] =	ssyncset.done @!p0 $0x0  }
0xbb: {  	[sflag:s0] =	ssyncadd.s32 @!p0 s1  }
0xbc: {  	[bflag:$0x3] =	sbarrier.arrive $0xFFFF  }
0xbd: {  	_ =	shalt  }

// kernel: sparse-core-data-format-call.cloned.1.call-start
scs
called_computation_lowered:
.L_overlay_start_0:
0x0: {  	s2 =	sld [smem:$0x3FD9]  }
0x1: {  	s3 =	sld [smem:$0x3FFE];
	_ =	sdelay $0x1  }
0x2: {  	s1 =	srdreg.scid  }
0x3: {  	s0 =	sand.u32 $0x1, s1  }
0x4: {  	s18 =	sshll.u32 s0, $0xA;
	s2 =	sadd.s32 s3, s2  }
0x5: {  	s2 =	sadd.s32 s2, s18  }
0x6: {  	[smem:$0x3FC4] =	sst s2  }
0x7: {  	_ = 	snop  }
0x8: {  	s19 =	sld [smem:$0x3FC6];
	(tm) =	ssettm $0x1  }
0x9: {  	s20 =	sld [smem:$0x3FFB];
	_ =	sdelay $0x3  }
0xa: {  	_ =	strace s20  }
0xb: {  	s2 =	sld [smem:$0x3FFC];
	_ =	sdelay $0x3  }
0xc: {  	_ =	strace s2  }
0xd: {  	s2 =	sld [smem:$0x3FFD];
	_ =	sdelay $0x3  }
0xe: {  	_ =	strace s2  }
0xf: {  	_ =	strace $0x8FFFFFFF  }
0x10: {  	s21 =	sld [smem:$0x3FDB];
	_ =	sdelay $0x1  }
0x11: {  	s4 =	simm.s32 $_scs_section_size  }
0x12: {  	s5 =	simm.s32 $_size__tile_overlayer_lowered;
	s6 =	simm.s32 $_tile_overlayer_lowered  }
0x13: {  	s7 =	simm.s32 $0x1BFF;
	s22 =	sshll.u32 s6, $0x1;
	s4 =	sadd.s32 s4, s21  }
0x14: {  	s23 =	simm.s32 $0x0;
	s5 =	sshll.u32 s5, $0x1;
	s6 =	sadd.s32 s22, s4  }
0x15: {  	[timem:s23], [sflag:s7] =	dma.local [hbm:s6], s5  }
0x16: {  	_ =	swait.ge [sflag:s7], s5  }
0x17: {  	s5 =	ssub.s32 $0x0, s5;
	[sflag:s7] =	ssyncset.done $0x0  }
0x18: {  	[sflag:s7] =	ssyncadd.s32 s5;
	_ =	sdelay $0x1  }
0x19: {  	s24 =	simm.s32 $0x1B8B  }
0x1a: {  	_ =	swait.ge [sflag:s24], $0x1  }
0x1b: {  	[sflag:s24] =	ssyncset.done $0x0  }
0x1c: {  	[sflag:s24] =	ssyncadd.s32 $0xFFFFFFFF  }
0x1d: {  	s5 =	sld [smem:$0x0]  }
0x1e: {  	s6 =	sand.u32 $0xFFFFFFFE, s1  }
0x1f: {  	p0 =	sne.s32 s1, s6  }
0x20: {  	s6 =	sshll.u32 @p0 s6, $0xE  }
0x21: {  	s6 =	sadd.s32 @p0 $0x11B8D, s6;
	s7 =	sshll.u32 @p0 s5, $0x11  }
0x22: {  	s6 =	sor.u32 @p0 s7, s6  }
0x23: {  	[sflag:s6] =	ssyncadd.remote.s32 @p0 $0x1;
	_ =	sdelay $0x1  }
0x24: {  	s6 =	simm.s32 @p0 $0x1B8D  }
0x25: {  	_ =	swait.eq @p0 [sflag:s6], $0x1  }
0x26: {  	[sflag:s6] =	ssyncadd.s32 @p0 $0xFFFFFFFF  }
0x27: {  	s7 =	sshll.u32 @!p0 s1, $0xE  }
0x28: {  	s7 =	sor.u32 @!p0 $0x4000, s7;
	s6 =	simm.s32 @!p0 $0x1B8D  }
0x29: {  	s5 =	sshll.u32 @!p0 s5, $0x11;
	s7 =	sadd.s32 @!p0 $0x11B8D, s7;
	_ =	swait.eq @!p0 [sflag:s6], $0x1  }
0x2a: {  	s5 =	sor.u32 @!p0 s5, s7;
	[sflag:s6] =	ssyncadd.s32 @!p0 $0xFFFFFFFF  }
0x2b: {  	s26 =	simm.s32 $0x1B8E;
	s25 =	sld [smem:$0x3FFE];
	[sflag:s5] =	ssyncadd.remote.s32 @!p0 $0x1  }
0x2c: {  	s27 =	simm.s32 $execute0_lowered;
	[smem:$0x3FD2] =	sst s26  }
0x2d: {  	s6 =	sshll.u32 s27, $0x1;
	_ =	strace $0x80000049;
	[dreg:$0x1] =	wrdreg $0xFFFFFFFF  }
0x2e: {  	s28 =	simm.s32 $_size_execute0_lowered;
	s4 =	sadd.s32 s4, s6;
	[dreg:$0x0] =	wrdreg $0x0  }
0x2f: {  	s6 =	sshll.u32 s28, $0x1;
	[dreg:$0x2] =	wrdreg s4  }
0x30: {  	[dreg:$0x3] =	wrdreg s6  }
0x31: {  	[dreg:$0x4] =	wrdreg $0xC0  }
0x32: {  	_ =	task [dreg:s23], $0x5FFFF  }
0x33: {  	[dreg:$0x1] =	wrdreg $0xFFFFFFFF  }
0x34: {  	[dreg:$0x0] =	wrdreg $0x60  }
0x35: {  	[dreg:$0x2] =	wrdreg s19  }
0x36: {  	[dreg:$0x3] =	wrdreg s25  }
0x37: {  	[dreg:$0x4] =	wrdreg $0x9  }
0x38: {  	_ =	task.clear_ibuf [dreg:s23], $0x5FFFF;
	_ =	strace $0x90000049  }
0x39: {  	s29 =	simm.s32 $0x9;
	_ =	strace $0x8000004B  }
0x3a: {  	_ =	swait.ge [sflag:s29], $0x1  }
0x3b: {  	[sflag:s29] =	ssyncadd.s32 $0xFFFFFFFF  }
0x3c: {  	_ =	strace $0x9000004B  }
0x3d: {  	_ =	sfence  }
0x3e: {  	s30 =	sld [smem:$0x0];
	_ =	sdelay $0x2  }
0x3f: {  	s31 =	sshll.u32 s1, $0xD;
	s1 =	sshrl.u32 s1, $0x2  }
0x40: {  	s4 =	sand.u32 $0x4000, s31;
	s1 =	sadd.s32 s1, s30  }
0x41: {  	s0 =	sor.u32 s4, s0;
	s1 =	sshll.u32 s1, $0x11  }
0x42: {  	s0 =	sor.u32 s1, s0  }
0x43: {  	s0 =	sadd.s32 $0x8F2B, s0  }
0x44: {  	[sflag:s0] =	ssyncadd.remote.s32 $0x1  }
0x45: {  	_ =	sfence.sel $0xFFFF  }
0x46: {  	[dreg:$0x0] =	wrdreg $0xFFFFFFFF;
	(pc) =	sbr.abs _section_cstart, $3  }
0x47: {  	[dreg:$0x1] =	wrdreg $0xFFFFFFFF  }
0x48: {  	_ =	task.clear_ibuf [dreg:s23], $0x2FFFF;
	_ =	strace $0x9FFFFFFF  }
0x49: {  	(tm) =	ssettm $0x7FFFFFFF  }
tec
execute0_lowered:
.L_overlay_start_1:
0x0: {  	(tag) =	ssettag $0x1  }
0x1: {  	s2 =	rddreg [dreg:$0x0]  }
0x2: {  	s1 =	rddreg [dreg:$0x1]  }
0x3: {  	s0 =	rddreg [dreg:$0x2];
	_ =	strace $0x8000004A;
	s4 =	srdreg.scid  }
0x4: {  	s6 =	simm.s32 $0x2;
	s11 =	simm.s32 $0x0;
	p0 =	por $0x0, $0x0  }
.Ltmp0:
0x5: {  	s7 =	simm.s32 $0x8000;
	s12 =	simm.s32 $0x0;
	(pc) =	sbr.rel .LBB1_1-.Ltmp0, $4  }
0x6: {  	s9 =	simm.s32 $0x0;
	s3 =	sadd.s32 $0x3400, s1;
	s5 =	sshll.u32 s4, $0x4  }
0x7: {  	s1 =	stileid.u32;
	s4 =	simm.s32 $0x1;
	s5 =	sand.u32 $0x10, s5  }
0x8: {  	s8 =	simm.s32 $0x0;
	[sflag:s4] =	ssyncpa.u1 $0x0;
	s5 =	sor.u32 s1, s5  }
0x9: {  	[sflag:s6] =	ssyncpa.u1 $0x0;
	s6 =	simm.s32 $0x800;
	s10 =	smov.u32 s5  }
.LBB1_7:
0xa: {  	s13 =	sadd.s32 $0x10, s9  }
0xb: {  	s11 =	sadd.s32 $0x20, s10;
	s15 =	smov.u32 s10;
	p2 =	sgt.s32 s13, $0xFF  }
0xc: {  	p1 =	slt.u32 s8, $0x2;
	s15 =	smov.u32 @p2 s11  }
0xd: {  	s8 =	sadd.s32 $0x1, s8;
	s13 =	simm.s32 @p2 $0x0;
	p2 =	sgt.s32 s15, $0x7F  }
0xe: {  	s15 =	smov.u32 @p2 s5;
	p2 =	sne.s32 s8, $0x42  }
.Ltmp1:
0xf: {  	_ = 	snop;
	(pc) =	sbr.rel @!p2 .LBB1_8-.Ltmp1, $4  }
0x10: {  	s14 =	simm.s32 @!p1 $0x2  }
0x11: {  	s12 =	smov.u32 s10;
	_ =	swait.ge @!p1 [sflag:s14], $0x4000  }
0x12: {  	p0 =	por !p0, !p0;
	s11 =	smov.u32 s9;
	[sflag:s14] =	ssyncset.done @!p1 $0x0  }
0x13: {  	s9 =	smov.u32 s13;
	[sflag:s14] =	ssyncadd.s32 @!p1 $0xFFFFC000;
	s10 =	smov.u32 s15  }
.LBB1_1:
0x14: {  	p1 =	sgt.u32 s8, $0x3F  }
0x15: {  	s13 =	sxor.u32 @!p1 $0xFFFFFFFF, s8;
	s14 =	sshll.u32 @!p1 s10, $0xF  }
0x16: {  	s15 =	sshll.u32 @!p1 s9, $0x7;
	s13 =	sshll.u32 @!p1 s13, $0xE;
	s14 =	sadd.s32 @!p1 s2, s14  }
0x17: {  	s13 =	sand.u32 @!p1 $0x4000, s13;
	s14 =	sadd.s32 @!p1 s15, s14;
	s15 =	simm.s32 @!p1 $0x0  }
0x18: {  	[tilespmem:s13], [sflag:$0x1] =	stream.linear.gather @!p1 [hbm4b:s14+s15], $0x4000, $0x38;
	[tilespmem:$0x10000] =	vst v63  }
0x19: {  	p1 =	seq.s32 s8, $0x0  }
0x1a: {  	p2 =	seq.s32 @!p1 s8, $0x41  }
0x1b: {  	p1 =	por p1, p2  }
.Ltmp2:
0x1c: {  	_ = 	snop;
	(pc) =	sbr.rel @p1 .LBB1_7-.Ltmp2, $1  }
0x1d: {  	_ =	sdelay $0x3  }
0x1e: {  	s13 =	simm.s32 $0x1;
	_ =	swait.ge [sflag:s4], $0x4000;
	s16 =	sshll.u32 s8, $0xE  }
0x1f: {  	s13 =	simm.s32 @!p0 $0x0;
	[sflag:s4] =	ssyncset.done $0x0;
	s31 =	sand.u32 $0x4000, s16  }
0x20: {  	s16 =	simm.s32 $0x0;
	s14 =	sshll.u32 s13, $0xE;
	[sflag:s4] =	ssyncadd.s32 $0xFFFFC000  }
0x21: {  	s13 =	sor.u32 $0x8040, s14;
	s15 =	sor.u32 $0x40, s14;
	s14 =	sor.u32 $0x8000, s31  }
.LBB1_3:
0x22: {  	v0 =	vmov s15;
	_ =	sdelay $0x3  }
0x23: {  	s18 =	simm.s32 $0x0  }
0x24: {  	v6 =	vld.idx.msk [tilespmem:v0+s18+$0x30 ss:$0x1], $0xffff  }
0x25: {  	v7 =	vld.idx.msk [tilespmem:v0+s18+$0xFFFFFFC0 ss:$0x1], $0xffff  }
0x26: {  	v5 =	vld.idx.msk [tilespmem:v0+s18+$0xFFFFFFD0 ss:$0x1], $0xffff  }
0x27: {  	v4 =	vld.idx.msk [tilespmem:v0+s18+$0xFFFFFFE0 ss:$0x1], $0xffff  }
0x28: {  	v3 =	vld.idx.msk [tilespmem:v0+s18+$0xFFFFFFF0 ss:$0x1], $0xffff  }
0x29: {  	v1 =	vld.idx.msk [tilespmem:v0+s18+$0x0 ss:$0x1], $0xffff  }
0x2a: {  	v2 =	vld.idx.msk [tilespmem:v0+s18+$0x10 ss:$0x1], $0xffff;
	[tilespmem:s13+$0x30] =	vst v6  }
0x2b: {  	s17 =	simm.s32 $0x80;
	s19 =	simm.s32 $0x400;
	[tilespmem:s13+$0xFFFFFFC0] =	vst v7;
	v6 =	vld.idx.msk [tilespmem:v0+s18+$0x20 ss:$0x1], $0xffff;
	s18 =	smov.u32 s13  }
.LBB1_4:
0x2c: {  	p1 =	sne.s32 s19, $0xE00;
	v7 =	vld.idx.msk [tilespmem:v0+s17+$0x30 ss:$0x1], $0xffff;
	[tilespmem:s18+$0xFFFFFFD0] =	vst v5  }
0x2d: {  	v8 =	vld.idx.msk [tilespmem:v0+s17+$0xFFFFFFC0 ss:$0x1], $0xffff;
	[tilespmem:s18+$0xFFFFFFE0] =	vst v4  }
0x2e: {  	v5 =	vld.idx.msk [tilespmem:v0+s17+$0xFFFFFFD0 ss:$0x1], $0xffff;
	[tilespmem:s18+$0xFFFFFFF0] =	vst v3  }
.Ltmp3:
0x2f: {  	v4 =	vld.idx.msk [tilespmem:v0+s17+$0xFFFFFFE0 ss:$0x1], $0xffff;
	[tilespmem:s18+$0x0] =	vst v1;
	(pc) =	sbr.rel @p1 .LBB1_4-.Ltmp3, $4  }
0x30: {  	v3 =	vld.idx.msk [tilespmem:v0+s17+$0xFFFFFFF0 ss:$0x1], $0xffff;
	[tilespmem:s18+$0x10] =	vst v2  }
0x31: {  	v1 =	vld.idx.msk [tilespmem:v0+s17+$0x0 ss:$0x1], $0xffff;
	[tilespmem:s18+$0x20] =	vst v6;
	s18 =	sadd.s32 $0x800, s18  }
0x32: {  	v2 =	vld.idx.msk [tilespmem:v0+s17+$0x10 ss:$0x1], $0xffff;
	[tilespmem:s18+$0x30] =	vst v7  }
0x33: {  	[tilespmem:s18+$0xFFFFFFC0] =	vst v8;
	v6 =	vld.idx.msk [tilespmem:v0+s17+$0x20 ss:$0x1], $0xffff;
	s17 =	sshra.s32 s19, $0x2;
	s19 =	sadd.s32 $0x200, s19  }
0x34: {  	_ =	sdelay $0x2  }
0x35: {  	[tilespmem:s18+$0xFFFFFFD0] =	vst v5  }
0x36: {  	v56 =	vld.idx.msk [tilespmem:v0+s17+$0x30 ss:$0x1], $0xffff;
	[tilespmem:s18+$0xFFFFFFE0] =	vst v4  }
0x37: {  	v57 =	vld.idx.msk [tilespmem:v0+s17+$0xFFFFFFC0 ss:$0x1], $0xffff;
	[tilespmem:s18+$0xFFFFFFF0] =	vst v3  }
0x38: {  	v58 =	vld.idx.msk [tilespmem:v0+s17+$0xFFFFFFD0 ss:$0x1], $0xffff;
	[tilespmem:s18+$0x0] =	vst v1  }
0x39: {  	v59 =	vld.idx.msk [tilespmem:v0+s17+$0xFFFFFFE0 ss:$0x1], $0xffff;
	[tilespmem:s18+$0x10] =	vst v2  }
0x3a: {  	v60 =	vld.idx.msk [tilespmem:v0+s17+$0xFFFFFFF0 ss:$0x1], $0xffff;
	s31 =	sadd.s32 $0x800, s18;
	[tilespmem:s18+$0x20] =	vst v6  }
0x3b: {  	v61 =	vld.idx.msk [tilespmem:v0+s17+$0x0 ss:$0x1], $0xffff;
	[tilespmem:s31+$0x30] =	vst v56  }
0x3c: {  	v62 =	vld.idx.msk [tilespmem:v0+s17+$0x10 ss:$0x1], $0xffff;
	s16 =	sadd.s32 $0x1, s16;
	[tilespmem:s31+$0xFFFFFFC0] =	vst v57  }
0x3d: {  	v63 =	vld.idx.msk [tilespmem:v0+s17+$0x20 ss:$0x1], $0xffff;
	p1 =	sne.s32 s16, $0x10;
	[tilespmem:s31+$0xFFFFFFD0] =	vst v58  }
.Ltmp4:
0x3e: {  	[tilespmem:s31+$0xFFFFFFE0] =	vst v59;
	(pc) =	sbr.rel @p1 .LBB1_3-.Ltmp4, $4  }
0x3f: {  	[tilespmem:s31+$0xFFFFFFF0] =	vst v60  }
0x40: {  	[tilespmem:s31+$0x0] =	vst v61  }
0x41: {  	[tilespmem:s31+$0x10] =	vst v62  }
0x42: {  	s13 =	sadd.s32 $0x80, s13;
	s15 =	sadd.s32 $0x400, s15;
	[tilespmem:s31+$0x20] =	vst v63  }
.Ltmp5:
0x43: {  	(pc) =	sbr.rel .LBB1_7-.Ltmp5, $4  }
0x44: {  	s12 =	sshll.u32 s12, $0xF;
	s11 =	sshll.u32 s11, $0x4  }
0x45: {  	s11 =	sand.u32 $0xFF0, s11;
	s12 =	sadd.s32 s3, s12  }
0x46: {  	s11 =	sadd.s32 s11, s12  }
0x47: {  	[hbm4b:s11+s6] =	stream.strided.scatter [tilespmem:s14], [sflag:$0x2], $0x4000, s7, s6, $0x38;
	[tilespmem:$0x10000] =	vst v63  }
.LBB1_8:
0x48: {  	_ =	sfence.sel $0x180000  }
0x49: {  	s2 =	simm.s32 $0x1;
	[bflag:$0x0] =	sbarrier.arrive $0xFFFF  }
0x4a: {  	s31 =	simm.s32 $0x2;
	[sflag:s2] =	ssyncpa.u1 $0x1  }
0x4b: {  	[sflag:s31] =	ssyncpa.u1 $0x1  }
0x4c: {  	p0 =	sne.s32 s1, $0x0;
	_ =	strace $0x9000004A  }
0x4d: {  	s0 =	sadd.s32 @!p0 $0x100000, s0;
	[bflag:$0x2] =	sbarrier.arrive $0xFFFF  }
0x4e: {  	[sflag:s0] =	ssyncadd.tile.s32 @!p0 $0x1;
	_ =	shalt  }
.Lfunc_end1:
_tile_overlayer_lowered:
.L_overlay_start_2:
0x4f: {  	(tag) =	ssettag $0x2  }
0x50: {  	s0 =	rddreg [dreg:$0x0];
	s2 =	stileid.u32  }
0x51: {  	s1 =	rddreg [dreg:$0x1];
	p0 =	sne.s32 s2, $0x0  }
0x52: {  	s3 =	rddreg [dreg:$0x2];
	[bflag:$0x3] =	sbarrier.arrive $0xFFFF;
	s2 =	simm.s32 @!p0 $0x1C01  }
0x53: {  	[timem:s3], [sflag:s2] =	dma.local @!p0 [hbm:s0], s1  }
0x54: {  	s0 =	simm.s32 @!p0 $0x1  }
0x55: {  	_ =	swait.ge @!p0 [sflag:s0], s1  }
0x56: {  	s1 =	ssub.s32 @!p0 $0x0, s1;
	[sflag:s0] =	ssyncset.done @!p0 $0x0  }
0x57: {  	[sflag:s0] =	ssyncadd.s32 @!p0 s1  }
0x58: {  	[bflag:$0x3] =	sbarrier.arrive $0xFFFF  }
0x59: {  	_ =	shalt  }

</sc_bundles>
